<compile_context>
chip_gen: v7x
topology: tpu7x:2x2x1
jax: 0.10.2.dev20260603
libtpu: 0.0.44.dev20260713+nightly
codegen_flags: <defaults>
</compile_context>

<pallas_src>
import jax
import jax.numpy as jnp
from jax.experimental import pallas as pl
from jax.experimental.pallas import tpu as pltpu
from jax.experimental.pallas import tpu_sc as plsc

_B, _D_IN, _D_HID, _L, _K = 4096, 2048, 1024, 64, 512
_BLK = 512
_NB = _B // _BLK


def _onehot(ind_ref):
    ind = ind_ref[0, 0, :]
    iota = jax.lax.broadcasted_iota(jnp.int32, (_BLK, _K), 1)
    return (iota == ind[:, None]).astype(jnp.float32)


def _stage_s(ctx_ref, s_ref):
    ctx = ctx_ref[...]
    m1 = ctx - 1.0
    a = (jax.lax.dot_general(ctx, ctx, (((1,), (1,)), ((), ())),
                             preferred_element_type=jnp.float32)
         + jax.lax.dot_general(m1, m1, (((1,), (1,)), ((), ())),
                               preferred_element_type=jnp.float32)
         ) / jnp.float32(_L)
    s_ref[...] = jnp.exp(1.4 * jnp.log(jnp.maximum(a, 1e-12)))


def _stage_a(x_ref, enc_w_ref, enc_b_ref, fc1_w_ref, fc1_b_ref,
             fc2_w_ref, fc2_b_ref, ctx_ref, s_ref,
             feat_ref, bbn_ref, cbn_ref, e_ref, ind_ref, gt_ref, wpc_ref,
             cnt_acc):
    i = pl.program_id(0)
    x = x_ref[...]
    feat = jnp.maximum(
        jnp.dot(x, enc_w_ref[...], preferred_element_type=jnp.float32)
        + enc_b_ref[...], 0.0)
    feat_ref[...] = feat
    bbn = (jnp.dot(feat, fc1_w_ref[...], preferred_element_type=jnp.float32)
           + fc1_b_ref[...])
    cbn = (jnp.dot(feat, fc2_w_ref[...], preferred_element_type=jnp.float32)
           + fc2_b_ref[...])
    bbn_ref[...] = bbn
    cbn_ref[...] = cbn
    ctx = ctx_ref[...]
    cross = jax.lax.dot_general(bbn, ctx, (((1,), (1,)), ((), ())),
                                preferred_element_type=jnp.float32)
    d2 = (jnp.sum(bbn * bbn, axis=1, keepdims=True)
          - 2.0 * cross
          + jnp.sum(ctx * ctx, axis=1)[None, :])
    m = jnp.min(d2, axis=1, keepdims=True)
    iota = jax.lax.broadcasted_iota(jnp.int32, (_BLK, _K), 1)
    ind = jnp.min(jnp.where(d2 <= m, iota, _K), axis=1)
    e = (iota == ind[:, None]).astype(jnp.float32)
    e_ref[...] = e
    ind_ref[...] = ind[None, None, :]
    gt_ref[...] = jax.lax.dot_general(s_ref[...], e, (((1,), (1,)), ((), ())),
                                      preferred_element_type=jnp.float32)

    @pl.when(i == 0)
    def _():
        cnt_acc[...] = jnp.zeros_like(cnt_acc)

    cnt_acc[...] += jnp.sum(e, axis=0, keepdims=True)

    @pl.when(i == _NB - 1)
    def _():
        degc = jnp.sum(s_ref[...] * cnt_acc[...], axis=1, keepdims=True)
        wpc_ref[...] = jax.lax.rsqrt(degc)


def _stage_b(ind_ref, cbn_ref, wpc_ref, s_ref, gcn_w_ref,
             w_ref, p_ref, t_acc):
    i = pl.program_id(0)
    e = _onehot(ind_ref)
    w = jnp.dot(e, wpc_ref[...], preferred_element_type=jnp.float32)
    w_ref[...] = w
    wc = w * cbn_ref[...]

    @pl.when(i == 0)
    def _():
        t_acc[...] = jnp.zeros_like(t_acc)

    t_acc[...] += jax.lax.dot_general(e, wc, (((0,), (0,)), ((), ())),
                                      preferred_element_type=jnp.float32)

    @pl.when(i == _NB - 1)
    def _():
        u = jnp.dot(s_ref[...], t_acc[...],
                    preferred_element_type=jnp.float32)
        p_ref[...] = jnp.dot(u, gcn_w_ref[...],
                             preferred_element_type=jnp.float32)


def _stage_c(ind_ref, w_ref, p_ref, dec_w_ref, dec_b_ref, dec_ref):
    e = _onehot(ind_ref)
    r = jnp.dot(e, p_ref[...], preferred_element_type=jnp.float32)
    latent = jax.nn.sigmoid(w_ref[...] * r)
    dec_ref[...] = (jnp.dot(latent, dec_w_ref[...],
                            preferred_element_type=jnp.float32)
                    + dec_b_ref[...])


_NC, _NS = 2, 16
_NW = _NC * _NS
_RPW = _B // _NW
_CH = 8
_NCH = _RPW // _CH


_NBUF = 3


def _sc_adj(gt_hbm, ind_hbm, adj_hbm, idx_v, buf0, buf1, buf2,
            gsem0, gsem1, gsem2, ssem0, ssem1, ssem2):
    wid = jax.lax.axis_index("s") * _NC + jax.lax.axis_index("c")
    base = wid * _RPW
    pltpu.sync_copy(ind_hbm.at[pl.ds(base, _RPW)], idx_v)
    bufs = (buf0, buf1, buf2)
    gsems = (gsem0, gsem1, gsem2)
    ssems = (ssem0, ssem1, ssem2)
    gath = [None] * _NCH
    scat = [None] * _NCH

    def _gather(c):
        return pltpu.async_copy(
            gt_hbm.at[idx_v.at[pl.ds(c * _CH, _CH)]],
            bufs[c % _NBUF], gsems[c % _NBUF])

    for c in range(_NBUF - 1):
        gath[c] = _gather(c)
    for c in range(_NCH):
        nxt = c + _NBUF - 1
        if nxt < _NCH:
            if nxt >= _NBUF:
                scat[nxt - _NBUF].wait()
            gath[nxt] = _gather(nxt)
        gath[c].wait()
        scat[c] = pltpu.async_copy(
            bufs[c % _NBUF], adj_hbm.at[pl.ds(base + c * _CH, _CH)],
            ssems[c % _NBUF])
    for c in range(_NCH - min(_NBUF, _NCH), _NCH):
        scat[c].wait()


def kernel(inputs, enc_w, enc_b, fc1_w, fc1_b, fc2_w, fc2_b,
           gcn_w, dec_w, dec_b, context):
    f32 = jnp.float32
    enc_b2 = enc_b.reshape(1, _D_HID)
    fc1_b2 = fc1_b.reshape(1, _L)
    fc2_b2 = fc2_b.reshape(1, _L)
    dec_b2 = dec_b.reshape(1, _D_IN)

    whole = lambda *shape: pl.BlockSpec(shape, lambda i: (0,) * len(shape))
    ind_spec = pl.BlockSpec((1, 1, _BLK), lambda i: (i, 0, 0))

    s = pl.pallas_call(
        _stage_s,
        in_specs=[pl.BlockSpec((_K, _L), lambda: (0, 0))],
        out_specs=pl.BlockSpec((_K, _K), lambda: (0, 0)),
        out_shape=jax.ShapeDtypeStruct((_K, _K), f32),
    )(context)

    feat, bbn, cbn, e, ind3, gt, wpc = pl.pallas_call(
        _stage_a,
        grid=(_NB,),
        in_specs=[
            pl.BlockSpec((_BLK, _D_IN), lambda i: (i, 0)),
            whole(_D_IN, _D_HID),
            whole(1, _D_HID),
            whole(_D_HID, _L),
            whole(1, _L),
            whole(_D_HID, _L),
            whole(1, _L),
            whole(_K, _L),
            whole(_K, _K),
        ],
        out_specs=[
            pl.BlockSpec((_BLK, _D_HID), lambda i: (i, 0)),
            pl.BlockSpec((_BLK, _L), lambda i: (i, 0)),
            pl.BlockSpec((_BLK, _L), lambda i: (i, 0)),
            pl.BlockSpec((_BLK, _K), lambda i: (i, 0)),
            ind_spec,
            pl.BlockSpec((_K, _BLK), lambda i: (0, i)),
            whole(_K, 1),
        ],
        out_shape=[
            jax.ShapeDtypeStruct((_B, _D_HID), f32),
            jax.ShapeDtypeStruct((_B, _L), f32),
            jax.ShapeDtypeStruct((_B, _L), f32),
            jax.ShapeDtypeStruct((_B, _K), f32),
            jax.ShapeDtypeStruct((_NB, 1, _BLK), jnp.int32),
            jax.ShapeDtypeStruct((_K, _B), f32),
            jax.ShapeDtypeStruct((_K, 1), f32),
        ],
        scratch_shapes=[pltpu.VMEM((1, _K), f32)],
    )(inputs, enc_w, enc_b2, fc1_w, fc1_b2, fc2_w, fc2_b2, context, s)
    ind = ind3.reshape(_B)

    adj = pl.kernel(
        _sc_adj,
        out_type=jax.ShapeDtypeStruct((_B, _B), f32),
        mesh=plsc.VectorSubcoreMesh(core_axis_name="c", subcore_axis_name="s"),
        scratch_types=[
            pltpu.VMEM((_RPW,), jnp.int32),
            pltpu.VMEM((_CH, _B), f32),
            pltpu.VMEM((_CH, _B), f32),
            pltpu.VMEM((_CH, _B), f32),
            pltpu.SemaphoreType.DMA,
            pltpu.SemaphoreType.DMA,
            pltpu.SemaphoreType.DMA,
            pltpu.SemaphoreType.DMA,
            pltpu.SemaphoreType.DMA,
            pltpu.SemaphoreType.DMA,
        ],
    )(gt, ind)

    w, p = pl.pallas_call(
        _stage_b,
        grid=(_NB,),
        in_specs=[
            ind_spec,
            pl.BlockSpec((_BLK, _L), lambda i: (i, 0)),
            whole(_K, 1),
            whole(_K, _K),
            whole(_L, _L),
        ],
        out_specs=[
            pl.BlockSpec((_BLK, 1), lambda i: (i, 0)),
            whole(_K, _L),
        ],
        out_shape=[
            jax.ShapeDtypeStruct((_B, 1), f32),
            jax.ShapeDtypeStruct((_K, _L), f32),
        ],
        scratch_shapes=[pltpu.VMEM((_K, _L), f32)],
    )(ind3, cbn, wpc, s, gcn_w)

    decoded = pl.pallas_call(
        _stage_c,
        grid=(_NB,),
        in_specs=[
            ind_spec,
            pl.BlockSpec((_BLK, 1), lambda i: (i, 0)),
            whole(_K, _L),
            whole(_L, _D_IN),
            whole(1, _D_IN),
        ],
        out_specs=[pl.BlockSpec((_BLK, _D_IN), lambda i: (i, 0))],
        out_shape=[jax.ShapeDtypeStruct((_B, _D_IN), f32)],
    )(ind3, w, p, dec_w, dec_b2)[0]

    return decoded, bbn, e, feat, adj

# --- scband reference (transcript-rebuilt; emitter-appended) ---
"""Pipeline reference for scband-auto-encoding-32641751449755 (READ-ONLY COPY).

The authoritative reference and input builder live on the scoring server;
editing this copy changes nothing except your own understanding.
"""

import jax, jax.numpy as jnp
import numpy as np

B, D_IN, D_HID, L, K = 4096, 2048, 1024, 64, 512


def setup_inputs(seed: int = 0) -> dict:
    key = jax.random.key(seed)
    ks = jax.random.split(key, 8)
    inputs = jax.random.normal(ks[0], (B, D_IN), dtype=jnp.float32)
    enc_w = jax.random.normal(ks[1], (D_IN, D_HID), dtype=jnp.float32) * 0.02
    enc_b = jnp.zeros((D_HID,), dtype=jnp.float32)
    fc1_w = jax.random.normal(ks[2], (D_HID, L), dtype=jnp.float32) * 0.02
    fc1_b = jnp.zeros((L,), dtype=jnp.float32)
    fc2_w = jax.random.normal(ks[3], (D_HID, L), dtype=jnp.float32) * 0.02
    fc2_b = jnp.zeros((L,), dtype=jnp.float32)
    gcn_w = jax.random.normal(ks[4], (L, L), dtype=jnp.float32) * 0.02
    dec_w = jax.random.normal(ks[5], (L, D_IN), dtype=jnp.float32) * 0.02
    dec_b = jnp.zeros((D_IN,), dtype=jnp.float32)
    context = jax.random.normal(ks[6], (K, L), dtype=jnp.float32) * 0.01
    return {"inputs": inputs, "enc_w": enc_w, "enc_b": enc_b,
            "fc1_w": fc1_w, "fc1_b": fc1_b, "fc2_w": fc2_w, "fc2_b": fc2_b,
            "gcn_w": gcn_w, "dec_w": dec_w, "dec_b": dec_b, "context": context}


def reference(inputs, enc_w, enc_b, fc1_w, fc1_b, fc2_w, fc2_b, gcn_w, dec_w, dec_b, context):
    # encoder
    feat = jax.nn.relu(inputs @ enc_w + enc_b)
    # binary bottleneck branch
    bbn = feat @ fc1_w + fc1_b
    # functional.nearest_context: squared-L2 nearest codebook entry -> one-hot indicator
    d2 = (jnp.sum(bbn * bbn, axis=1, keepdims=True)
          - 2.0 * (bbn @ context.T)
          + jnp.sum(context * context, axis=1)[None, :])
    ind = jnp.argmin(d2, axis=1)
    context_ind = jax.nn.one_hot(ind, K, dtype=jnp.float32)
    # functional.vq: straight-through vector quantization (gather from codebook)
    quant = jnp.take(context, ind, axis=0)
    vq_bbn = bbn + jax.lax.stop_gradient(quant - bbn)
    # continuous bottleneck branch
    cbn = feat @ fc2_w + fc2_b
    # TwinBottleneck: hamming-style adjacency from quantized codes + 1-layer GCN
    m1 = vq_bbn - 1.0
    adj = (vq_bbn @ vq_bbn.T + m1 @ m1.T) / jnp.float32(L)
    adj = jnp.power(jnp.maximum(adj, 1e-12), 1.4)
    deg = jnp.sum(adj, axis=1)
    d_inv_sqrt = jnp.power(deg, -0.5)
    norm_adj = d_inv_sqrt[:, None] * adj * d_inv_sqrt[None, :]
    latent = jax.nn.sigmoid((norm_adj @ cbn) @ gcn_w)
    # decoder
    decoded = latent @ dec_w + dec_b
    return decoded, bbn, context_ind, feat, adj

if __name__ == "__main__":
    import jax
    _d = setup_inputs()
    print(jax.jit(kernel)(*tuple(_d.values())))

</pallas_src>

<mosaic_0001>
#map = affine_map<(d0, d1) -> (0, 0)>
#map1 = affine_map<(d0, d1) -> (0)>
module attributes {stable_mosaic.version = 14 : i64} {
  func.func @_sc_adj(%arg0: i32, %arg1: i32, %arg2: memref<512x4096xf32, #tpu.memory_space<hbm>>, %arg3: memref<4096xi32, #tpu.memory_space<hbm>>, %arg4: memref<4096x4096xf32, #tpu.memory_space<hbm>>, %arg5: memref<128xi32, #tpu.memory_space<vmem>>, %arg6: memref<8x4096xf32, #tpu.memory_space<vmem>>, %arg7: memref<8x4096xf32, #tpu.memory_space<vmem>>, %arg8: memref<8x4096xf32, #tpu.memory_space<vmem>>, %arg9: memref<!tpu.dma_semaphore, #tpu.memory_space<semaphore_mem>>, %arg10: memref<!tpu.dma_semaphore, #tpu.memory_space<semaphore_mem>>, %arg11: memref<!tpu.dma_semaphore, #tpu.memory_space<semaphore_mem>>, %arg12: memref<!tpu.dma_semaphore, #tpu.memory_space<semaphore_mem>>, %arg13: memref<!tpu.dma_semaphore, #tpu.memory_space<semaphore_mem>>, %arg14: memref<!tpu.dma_semaphore, #tpu.memory_space<semaphore_mem>>) attributes {dimension_semantics = [#tpu.dimension_semantics<core_parallel>, #tpu.dimension_semantics<subcore_parallel>], iteration_bounds = array<i64: 2, 16>, scalar_prefetch = 0 : i64, scratch_operands = 10 : i64, tpu.core_type = #tpu.core_type<sc_vector_subcore>, window_params = [{transform_indices = #map}, {transform_indices = #map1}, {transform_indices = #map}]} {
    %mul3A = arith.constant 2 : i32
    %mul3A_0 = arith.muli %arg1, %mul3A : i32
    %add3A = arith.addi %mul3A_0, %arg0 : i32
    %mul3A_1 = arith.constant 128 : i32
    %mul3A_2 = arith.muli %add3A, %mul3A_1 : i32
    "tpu.region"() ({
      %run_scoped3A = tpu.sem_alloc : memref<!tpu.dma_semaphore, #tpu.memory_space<semaphore_mem>>
      %dma_start3A_321 = tpu.memref_slice %arg3[%mul3A_2] : memref<4096xi32, #tpu.memory_space<hbm>> -> memref<128xi32, #tpu.memory_space<hbm>>
      %dma_start3A_322 = tpu.memref_slice %arg3[%mul3A_2] : memref<4096xi32, #tpu.memory_space<hbm>> -> memref<128xi32, #tpu.memory_space<hbm>>
      tpu.enqueue_dma source(%dma_start3A_322 : memref<128xi32, #tpu.memory_space<hbm>>) target(%arg5 : memref<128xi32, #tpu.memory_space<vmem>>) target_semaphore(%run_scoped3A : memref<!tpu.dma_semaphore, #tpu.memory_space<semaphore_mem>>)
      %dma_wait3A_323 = tpu.memref_slice %arg3[%mul3A_2] : memref<4096xi32, #tpu.memory_space<hbm>> -> memref<128xi32, #tpu.memory_space<hbm>>
      %dma_wait3A_324 = tpu.memref_slice %arg3[%mul3A_2] : memref<4096xi32, #tpu.memory_space<hbm>> -> memref<128xi32, #tpu.memory_space<hbm>>
      tpu.wait_dma2 semaphore(%run_scoped3A : memref<!tpu.dma_semaphore, #tpu.memory_space<semaphore_mem>>) src(%dma_wait3A_324 : memref<128xi32, #tpu.memory_space<hbm>>) dst(%arg5 : memref<128xi32, #tpu.memory_space<vmem>>)
      tpu.yield
    }) : () -> ()
    %dma_start3A = arith.constant 0 : i32
    %dma_start3A_3 = tpu.memref_slice %arg5[%dma_start3A] : memref<128xi32, #tpu.memory_space<vmem>> -> memref<8xi32, #tpu.memory_space<vmem>>
    %dma_start3A_4 = arith.constant 0 : i32
    %dma_start3A_5 = arith.constant 0 : i32
    %dma_start3A_6 = tpu.memref_slice %arg2[%dma_start3A_4, %dma_start3A_5] : memref<512x4096xf32, #tpu.memory_space<hbm>> -> memref<512x4096xf32, #tpu.memory_space<hbm>>
    tpu.enqueue_indirect_dma source(%dma_start3A_6 : memref<512x4096xf32, #tpu.memory_space<hbm>>) target(%arg6 : memref<8x4096xf32, #tpu.memory_space<vmem>>) offsets(%dma_start3A_3 : memref<8xi32, #tpu.memory_space<vmem>>) semaphore(%arg9 : memref<!tpu.dma_semaphore, #tpu.memory_space<semaphore_mem>>)
    %dma_start3A_7 = arith.constant 8 : i32
    %dma_start3A_8 = tpu.memref_slice %arg5[%dma_start3A_7] : memref<128xi32, #tpu.memory_space<vmem>> -> memref<8xi32, #tpu.memory_space<vmem>>
    %dma_start3A_9 = arith.constant 0 : i32
    %dma_start3A_10 = arith.constant 0 : i32
    %dma_start3A_11 = tpu.memref_slice %arg2[%dma_start3A_9, %dma_start3A_10] : memref<512x4096xf32, #tpu.memory_space<hbm>> -> memref<512x4096xf32, #tpu.memory_space<hbm>>
    tpu.enqueue_indirect_dma source(%dma_start3A_11 : memref<512x4096xf32, #tpu.memory_space<hbm>>) target(%arg7 : memref<8x4096xf32, #tpu.memory_space<vmem>>) offsets(%dma_start3A_8 : memref<8xi32, #tpu.memory_space<vmem>>) semaphore(%arg10 : memref<!tpu.dma_semaphore, #tpu.memory_space<semaphore_mem>>)
    %dma_start3A_12 = arith.constant 16 : i32
    %dma_start3A_13 = tpu.memref_slice %arg5[%dma_start3A_12] : memref<128xi32, #tpu.memory_space<vmem>> -> memref<8xi32, #tpu.memory_space<vmem>>
    %dma_start3A_14 = arith.constant 0 : i32
    %dma_start3A_15 = arith.constant 0 : i32
    %dma_start3A_16 = tpu.memref_slice %arg2[%dma_start3A_14, %dma_start3A_15] : memref<512x4096xf32, #tpu.memory_space<hbm>> -> memref<512x4096xf32, #tpu.memory_space<hbm>>
    tpu.enqueue_indirect_dma source(%dma_start3A_16 : memref<512x4096xf32, #tpu.memory_space<hbm>>) target(%arg8 : memref<8x4096xf32, #tpu.memory_space<vmem>>) offsets(%dma_start3A_13 : memref<8xi32, #tpu.memory_space<vmem>>) semaphore(%arg11 : memref<!tpu.dma_semaphore, #tpu.memory_space<semaphore_mem>>)
    %dma_wait3A = arith.constant 0 : i32
    %dma_wait3A_17 = tpu.memref_slice %arg5[%dma_wait3A] : memref<128xi32, #tpu.memory_space<vmem>> -> memref<8xi32, #tpu.memory_space<vmem>>
    %dma_wait3A_18 = arith.constant 0 : i32
    %dma_wait3A_19 = arith.constant 0 : i32
    %dma_wait3A_20 = tpu.memref_slice %arg2[%dma_wait3A_18, %dma_wait3A_19] : memref<512x4096xf32, #tpu.memory_space<hbm>> -> memref<512x4096xf32, #tpu.memory_space<hbm>>
    tpu.wait_indirect_dma semaphore(%arg9 : memref<!tpu.dma_semaphore, #tpu.memory_space<semaphore_mem>>) src(%dma_wait3A_20 : memref<512x4096xf32, #tpu.memory_space<hbm>>) dst(%arg6 : memref<8x4096xf32, #tpu.memory_space<vmem>>)
    %add3A_21 = arith.constant 0 : i32
    %add3A_22 = arith.addi %mul3A_2, %add3A_21 : i32
    %dma_start3A_23 = arith.constant 0 : i32
    %dma_start3A_24 = tpu.memref_slice %arg4[%add3A_22, %dma_start3A_23] : memref<4096x4096xf32, #tpu.memory_space<hbm>> -> memref<8x4096xf32, #tpu.memory_space<hbm>>
    %dma_start3A_25 = arith.constant 0 : i32
    %dma_start3A_26 = tpu.memref_slice %arg4[%add3A_22, %dma_start3A_25] : memref<4096x4096xf32, #tpu.memory_space<hbm>> -> memref<8x4096xf32, #tpu.memory_space<hbm>>
    tpu.enqueue_dma source(%arg6 : memref<8x4096xf32, #tpu.memory_space<vmem>>) target(%dma_start3A_26 : memref<8x4096xf32, #tpu.memory_space<hbm>>) target_semaphore(%arg12 : memref<!tpu.dma_semaphore, #tpu.memory_space<semaphore_mem>>)
    %dma_wait3A_27 = arith.constant 0 : i32
    %dma_wait3A_28 = tpu.memref_slice %arg4[%add3A_22, %dma_wait3A_27] : memref<4096x4096xf32, #tpu.memory_space<hbm>> -> memref<8x4096xf32, #tpu.memory_space<hbm>>
    %dma_wait3A_29 = arith.constant 0 : i32
    %dma_wait3A_30 = tpu.memref_slice %arg4[%add3A_22, %dma_wait3A_29] : memref<4096x4096xf32, #tpu.memory_space<hbm>> -> memref<8x4096xf32, #tpu.memory_space<hbm>>
    tpu.wait_dma2 semaphore(%arg12 : memref<!tpu.dma_semaphore, #tpu.memory_space<semaphore_mem>>) src(%arg6 : memref<8x4096xf32, #tpu.memory_space<vmem>>) dst(%dma_wait3A_30 : memref<8x4096xf32, #tpu.memory_space<hbm>>)
    %dma_start3A_31 = arith.constant 24 : i32
    %dma_start3A_32 = tpu.memref_slice %arg5[%dma_start3A_31] : memref<128xi32, #tpu.memory_space<vmem>> -> memref<8xi32, #tpu.memory_space<vmem>>
    %dma_start3A_33 = arith.constant 0 : i32
    %dma_start3A_34 = arith.constant 0 : i32
    %dma_start3A_35 = tpu.memref_slice %arg2[%dma_start3A_33, %dma_start3A_34] : memref<512x4096xf32, #tpu.memory_space<hbm>> -> memref<512x4096xf32, #tpu.memory_space<hbm>>
    tpu.enqueue_indirect_dma source(%dma_start3A_35 : memref<512x4096xf32, #tpu.memory_space<hbm>>) target(%arg6 : memref<8x4096xf32, #tpu.memory_space<vmem>>) offsets(%dma_start3A_32 : memref<8xi32, #tpu.memory_space<vmem>>) semaphore(%arg9 : memref<!tpu.dma_semaphore, #tpu.memory_space<semaphore_mem>>)
    %dma_wait3A_36 = arith.constant 8 : i32
    %dma_wait3A_37 = tpu.memref_slice %arg5[%dma_wait3A_36] : memref<128xi32, #tpu.memory_space<vmem>> -> memref<8xi32, #tpu.memory_space<vmem>>
    %dma_wait3A_38 = arith.constant 0 : i32
    %dma_wait3A_39 = arith.constant 0 : i32
    %dma_wait3A_40 = tpu.memref_slice %arg2[%dma_wait3A_38, %dma_wait3A_39] : memref<512x4096xf32, #tpu.memory_space<hbm>> -> memref<512x4096xf32, #tpu.memory_space<hbm>>
    tpu.wait_indirect_dma semaphore(%arg10 : memref<!tpu.dma_semaphore, #tpu.memory_space<semaphore_mem>>) src(%dma_wait3A_40 : memref<512x4096xf32, #tpu.memory_space<hbm>>) dst(%arg7 : memref<8x4096xf32, #tpu.memory_space<vmem>>)
    %add3A_41 = arith.constant 8 : i32
    %add3A_42 = arith.addi %mul3A_2, %add3A_41 : i32
    %dma_start3A_43 = arith.constant 0 : i32
    %dma_start3A_44 = tpu.memref_slice %arg4[%add3A_42, %dma_start3A_43] : memref<4096x4096xf32, #tpu.memory_space<hbm>> -> memref<8x4096xf32, #tpu.memory_space<hbm>>
    %dma_start3A_45 = arith.constant 0 : i32
    %dma_start3A_46 = tpu.memref_slice %arg4[%add3A_42, %dma_start3A_45] : memref<4096x4096xf32, #tpu.memory_space<hbm>> -> memref<8x4096xf32, #tpu.memory_space<hbm>>
    tpu.enqueue_dma source(%arg7 : memref<8x4096xf32, #tpu.memory_space<vmem>>) target(%dma_start3A_46 : memref<8x4096xf32, #tpu.memory_space<hbm>>) target_semaphore(%arg13 : memref<!tpu.dma_semaphore, #tpu.memory_space<semaphore_mem>>)
    %dma_wait3A_47 = arith.constant 0 : i32
    %dma_wait3A_48 = tpu.memref_slice %arg4[%add3A_42, %dma_wait3A_47] : memref<4096x4096xf32, #tpu.memory_space<hbm>> -> memref<8x4096xf32, #tpu.memory_space<hbm>>
    %dma_wait3A_49 = arith.constant 0 : i32
    %dma_wait3A_50 = tpu.memref_slice %arg4[%add3A_42, %dma_wait3A_49] : memref<4096x4096xf32, #tpu.memory_space<hbm>> -> memref<8x4096xf32, #tpu.memory_space<hbm>>
    tpu.wait_dma2 semaphore(%arg13 : memref<!tpu.dma_semaphore, #tpu.memory_space<semaphore_mem>>) src(%arg7 : memref<8x4096xf32, #tpu.memory_space<vmem>>) dst(%dma_wait3A_50 : memref<8x4096xf32, #tpu.memory_space<hbm>>)
    %dma_start3A_51 = arith.constant 32 : i32
    %dma_start3A_52 = tpu.memref_slice %arg5[%dma_start3A_51] : memref<128xi32, #tpu.memory_space<vmem>> -> memref<8xi32, #tpu.memory_space<vmem>>
    %dma_start3A_53 = arith.constant 0 : i32
    %dma_start3A_54 = arith.constant 0 : i32
    %dma_start3A_55 = tpu.memref_slice %arg2[%dma_start3A_53, %dma_start3A_54] : memref<512x4096xf32, #tpu.memory_space<hbm>> -> memref<512x4096xf32, #tpu.memory_space<hbm>>
    tpu.enqueue_indirect_dma source(%dma_start3A_55 : memref<512x4096xf32, #tpu.memory_space<hbm>>) target(%arg7 : memref<8x4096xf32, #tpu.memory_space<vmem>>) offsets(%dma_start3A_52 : memref<8xi32, #tpu.memory_space<vmem>>) semaphore(%arg10 : memref<!tpu.dma_semaphore, #tpu.memory_space<semaphore_mem>>)
    %dma_wait3A_56 = arith.constant 16 : i32
    %dma_wait3A_57 = tpu.memref_slice %arg5[%dma_wait3A_56] : memref<128xi32, #tpu.memory_space<vmem>> -> memref<8xi32, #tpu.memory_space<vmem>>
    %dma_wait3A_58 = arith.constant 0 : i32
    %dma_wait3A_59 = arith.constant 0 : i32
    %dma_wait3A_60 = tpu.memref_slice %arg2[%dma_wait3A_58, %dma_wait3A_59] : memref<512x4096xf32, #tpu.memory_space<hbm>> -> memref<512x4096xf32, #tpu.memory_space<hbm>>
    tpu.wait_indirect_dma semaphore(%arg11 : memref<!tpu.dma_semaphore, #tpu.memory_space<semaphore_mem>>) src(%dma_wait3A_60 : memref<512x4096xf32, #tpu.memory_space<hbm>>) dst(%arg8 : memref<8x4096xf32, #tpu.memory_space<vmem>>)
    %add3A_61 = arith.constant 16 : i32
    %add3A_62 = arith.addi %mul3A_2, %add3A_61 : i32
    %dma_start3A_63 = arith.constant 0 : i32
    %dma_start3A_64 = tpu.memref_slice %arg4[%add3A_62, %dma_start3A_63] : memref<4096x4096xf32, #tpu.memory_space<hbm>> -> memref<8x4096xf32, #tpu.memory_space<hbm>>
    %dma_start3A_65 = arith.constant 0 : i32
    %dma_start3A_66 = tpu.memref_slice %arg4[%add3A_62, %dma_start3A_65] : memref<4096x4096xf32, #tpu.memory_space<hbm>> -> memref<8x4096xf32, #tpu.memory_space<hbm>>
    tpu.enqueue_dma source(%arg8 : memref<8x4096xf32, #tpu.memory_space<vmem>>) target(%dma_start3A_66 : memref<8x4096xf32, #tpu.memory_space<hbm>>) target_semaphore(%arg14 : memref<!tpu.dma_semaphore, #tpu.memory_space<semaphore_mem>>)
    %dma_wait3A_67 = arith.constant 0 : i32
    %dma_wait3A_68 = tpu.memref_slice %arg4[%add3A_62, %dma_wait3A_67] : memref<4096x4096xf32, #tpu.memory_space<hbm>> -> memref<8x4096xf32, #tpu.memory_space<hbm>>
    %dma_wait3A_69 = arith.constant 0 : i32
    %dma_wait3A_70 = tpu.memref_slice %arg4[%add3A_62, %dma_wait3A_69] : memref<4096x4096xf32, #tpu.memory_space<hbm>> -> memref<8x4096xf32, #tpu.memory_space<hbm>>
    tpu.wait_dma2 semaphore(%arg14 : memref<!tpu.dma_semaphore, #tpu.memory_space<semaphore_mem>>) src(%arg8 : memref<8x4096xf32, #tpu.memory_space<vmem>>) dst(%dma_wait3A_70 : memref<8x4096xf32, #tpu.memory_space<hbm>>)
    %dma_start3A_71 = arith.constant 40 : i32
    %dma_start3A_72 = tpu.memref_slice %arg5[%dma_start3A_71] : memref<128xi32, #tpu.memory_space<vmem>> -> memref<8xi32, #tpu.memory_space<vmem>>
    %dma_start3A_73 = arith.constant 0 : i32
    %dma_start3A_74 = arith.constant 0 : i32
    %dma_start3A_75 = tpu.memref_slice %arg2[%dma_start3A_73, %dma_start3A_74] : memref<512x4096xf32, #tpu.memory_space<hbm>> -> memref<512x4096xf32, #tpu.memory_space<hbm>>
    tpu.enqueue_indirect_dma source(%dma_start3A_75 : memref<512x4096xf32, #tpu.memory_space<hbm>>) target(%arg8 : memref<8x4096xf32, #tpu.memory_space<vmem>>) offsets(%dma_start3A_72 : memref<8xi32, #tpu.memory_space<vmem>>) semaphore(%arg11 : memref<!tpu.dma_semaphore, #tpu.memory_space<semaphore_mem>>)
    %dma_wait3A_76 = arith.constant 24 : i32
    %dma_wait3A_77 = tpu.memref_slice %arg5[%dma_wait3A_76] : memref<128xi32, #tpu.memory_space<vmem>> -> memref<8xi32, #tpu.memory_space<vmem>>
    %dma_wait3A_78 = arith.constant 0 : i32
    %dma_wait3A_79 = arith.constant 0 : i32
    %dma_wait3A_80 = tpu.memref_slice %arg2[%dma_wait3A_78, %dma_wait3A_79] : memref<512x4096xf32, #tpu.memory_space<hbm>> -> memref<512x4096xf32, #tpu.memory_space<hbm>>
    tpu.wait_indirect_dma semaphore(%arg9 : memref<!tpu.dma_semaphore, #tpu.memory_space<semaphore_mem>>) src(%dma_wait3A_80 : memref<512x4096xf32, #tpu.memory_space<hbm>>) dst(%arg6 : memref<8x4096xf32, #tpu.memory_space<vmem>>)
    %add3A_81 = arith.constant 24 : i32
    %add3A_82 = arith.addi %mul3A_2, %add3A_81 : i32
    %dma_start3A_83 = arith.constant 0 : i32
    %dma_start3A_84 = tpu.memref_slice %arg4[%add3A_82, %dma_start3A_83] : memref<4096x4096xf32, #tpu.memory_space<hbm>> -> memref<8x4096xf32, #tpu.memory_space<hbm>>
    %dma_start3A_85 = arith.constant 0 : i32
    %dma_start3A_86 = tpu.memref_slice %arg4[%add3A_82, %dma_start3A_85] : memref<4096x4096xf32, #tpu.memory_space<hbm>> -> memref<8x4096xf32, #tpu.memory_space<hbm>>
    tpu.enqueue_dma source(%arg6 : memref<8x4096xf32, #tpu.memory_space<vmem>>) target(%dma_start3A_86 : memref<8x4096xf32, #tpu.memory_space<hbm>>) target_semaphore(%arg12 : memref<!tpu.dma_semaphore, #tpu.memory_space<semaphore_mem>>)
    %dma_wait3A_87 = arith.constant 0 : i32
    %dma_wait3A_88 = tpu.memref_slice %arg4[%add3A_82, %dma_wait3A_87] : memref<4096x4096xf32, #tpu.memory_space<hbm>> -> memref<8x4096xf32, #tpu.memory_space<hbm>>
    %dma_wait3A_89 = arith.constant 0 : i32
    %dma_wait3A_90 = tpu.memref_slice %arg4[%add3A_82, %dma_wait3A_89] : memref<4096x4096xf32, #tpu.memory_space<hbm>> -> memref<8x4096xf32, #tpu.memory_space<hbm>>
    tpu.wait_dma2 semaphore(%arg12 : memref<!tpu.dma_semaphore, #tpu.memory_space<semaphore_mem>>) src(%arg6 : memref<8x4096xf32, #tpu.memory_space<vmem>>) dst(%dma_wait3A_90 : memref<8x4096xf32, #tpu.memory_space<hbm>>)
    %dma_start3A_91 = arith.constant 48 : i32
    %dma_start3A_92 = tpu.memref_slice %arg5[%dma_start3A_91] : memref<128xi32, #tpu.memory_space<vmem>> -> memref<8xi32, #tpu.memory_space<vmem>>
    %dma_start3A_93 = arith.constant 0 : i32
    %dma_start3A_94 = arith.constant 0 : i32
    %dma_start3A_95 = tpu.memref_slice %arg2[%dma_start3A_93, %dma_start3A_94] : memref<512x4096xf32, #tpu.memory_space<hbm>> -> memref<512x4096xf32, #tpu.memory_space<hbm>>
    tpu.enqueue_indirect_dma source(%dma_start3A_95 : memref<512x4096xf32, #tpu.memory_space<hbm>>) target(%arg6 : memref<8x4096xf32, #tpu.memory_space<vmem>>) offsets(%dma_start3A_92 : memref<8xi32, #tpu.memory_space<vmem>>) semaphore(%arg9 : memref<!tpu.dma_semaphore, #tpu.memory_space<semaphore_mem>>)
    %dma_wait3A_96 = arith.constant 32 : i32
    %dma_wait3A_97 = tpu.memref_slice %arg5[%dma_wait3A_96] : memref<128xi32, #tpu.memory_space<vmem>> -> memref<8xi32, #tpu.memory_space<vmem>>
    %dma_wait3A_98 = arith.constant 0 : i32
    %dma_wait3A_99 = arith.constant 0 : i32
    %dma_wait3A_100 = tpu.memref_slice %arg2[%dma_wait3A_98, %dma_wait3A_99] : memref<512x4096xf32, #tpu.memory_space<hbm>> -> memref<512x4096xf32, #tpu.memory_space<hbm>>
    tpu.wait_indirect_dma semaphore(%arg10 : memref<!tpu.dma_semaphore, #tpu.memory_space<semaphore_mem>>) src(%dma_wait3A_100 : memref<512x4096xf32, #tpu.memory_space<hbm>>) dst(%arg7 : memref<8x4096xf32, #tpu.memory_space<vmem>>)
    %add3A_101 = arith.constant 32 : i32
    %add3A_102 = arith.addi %mul3A_2, %add3A_101 : i32
    %dma_start3A_103 = arith.constant 0 : i32
    %dma_start3A_104 = tpu.memref_slice %arg4[%add3A_102, %dma_start3A_103] : memref<4096x4096xf32, #tpu.memory_space<hbm>> -> memref<8x4096xf32, #tpu.memory_space<hbm>>
    %dma_start3A_105 = arith.constant 0 : i32
    %dma_start3A_106 = tpu.memref_slice %arg4[%add3A_102, %dma_start3A_105] : memref<4096x4096xf32, #tpu.memory_space<hbm>> -> memref<8x4096xf32, #tpu.memory_space<hbm>>
    tpu.enqueue_dma source(%arg7 : memref<8x4096xf32, #tpu.memory_space<vmem>>) target(%dma_start3A_106 : memref<8x4096xf32, #tpu.memory_space<hbm>>) target_semaphore(%arg13 : memref<!tpu.dma_semaphore, #tpu.memory_space<semaphore_mem>>)
    %dma_wait3A_107 = arith.constant 0 : i32
    %dma_wait3A_108 = tpu.memref_slice %arg4[%add3A_102, %dma_wait3A_107] : memref<4096x4096xf32, #tpu.memory_space<hbm>> -> memref<8x4096xf32, #tpu.memory_space<hbm>>
    %dma_wait3A_109 = arith.constant 0 : i32
    %dma_wait3A_110 = tpu.memref_slice %arg4[%add3A_102, %dma_wait3A_109] : memref<4096x4096xf32, #tpu.memory_space<hbm>> -> memref<8x4096xf32, #tpu.memory_space<hbm>>
    tpu.wait_dma2 semaphore(%arg13 : memref<!tpu.dma_semaphore, #tpu.memory_space<semaphore_mem>>) src(%arg7 : memref<8x4096xf32, #tpu.memory_space<vmem>>) dst(%dma_wait3A_110 : memref<8x4096xf32, #tpu.memory_space<hbm>>)
    %dma_start3A_111 = arith.constant 56 : i32
    %dma_start3A_112 = tpu.memref_slice %arg5[%dma_start3A_111] : memref<128xi32, #tpu.memory_space<vmem>> -> memref<8xi32, #tpu.memory_space<vmem>>
    %dma_start3A_113 = arith.constant 0 : i32
    %dma_start3A_114 = arith.constant 0 : i32
    %dma_start3A_115 = tpu.memref_slice %arg2[%dma_start3A_113, %dma_start3A_114] : memref<512x4096xf32, #tpu.memory_space<hbm>> -> memref<512x4096xf32, #tpu.memory_space<hbm>>
    tpu.enqueue_indirect_dma source(%dma_start3A_115 : memref<512x4096xf32, #tpu.memory_space<hbm>>) target(%arg7 : memref<8x4096xf32, #tpu.memory_space<vmem>>) offsets(%dma_start3A_112 : memref<8xi32, #tpu.memory_space<vmem>>) semaphore(%arg10 : memref<!tpu.dma_semaphore, #tpu.memory_space<semaphore_mem>>)
    %dma_wait3A_116 = arith.constant 40 : i32
    %dma_wait3A_117 = tpu.memref_slice %arg5[%dma_wait3A_116] : memref<128xi32, #tpu.memory_space<vmem>> -> memref<8xi32, #tpu.memory_space<vmem>>
    %dma_wait3A_118 = arith.constant 0 : i32
    %dma_wait3A_119 = arith.constant 0 : i32
    %dma_wait3A_120 = tpu.memref_slice %arg2[%dma_wait3A_118, %dma_wait3A_119] : memref<512x4096xf32, #tpu.memory_space<hbm>> -> memref<512x4096xf32, #tpu.memory_space<hbm>>
    tpu.wait_indirect_dma semaphore(%arg11 : memref<!tpu.dma_semaphore, #tpu.memory_space<semaphore_mem>>) src(%dma_wait3A_120 : memref<512x4096xf32, #tpu.memory_space<hbm>>) dst(%arg8 : memref<8x4096xf32, #tpu.memory_space<vmem>>)
    %add3A_121 = arith.constant 40 : i32
    %add3A_122 = arith.addi %mul3A_2, %add3A_121 : i32
    %dma_start3A_123 = arith.constant 0 : i32
    %dma_start3A_124 = tpu.memref_slice %arg4[%add3A_122, %dma_start3A_123] : memref<4096x4096xf32, #tpu.memory_space<hbm>> -> memref<8x4096xf32, #tpu.memory_space<hbm>>
    %dma_start3A_125 = arith.constant 0 : i32
    %dma_start3A_126 = tpu.memref_slice %arg4[%add3A_122, %dma_start3A_125] : memref<4096x4096xf32, #tpu.memory_space<hbm>> -> memref<8x4096xf32, #tpu.memory_space<hbm>>
    tpu.enqueue_dma source(%arg8 : memref<8x4096xf32, #tpu.memory_space<vmem>>) target(%dma_start3A_126 : memref<8x4096xf32, #tpu.memory_space<hbm>>) target_semaphore(%arg14 : memref<!tpu.dma_semaphore, #tpu.memory_space<semaphore_mem>>)
    %dma_wait3A_127 = arith.constant 0 : i32
    %dma_wait3A_128 = tpu.memref_slice %arg4[%add3A_122, %dma_wait3A_127] : memref<4096x4096xf32, #tpu.memory_space<hbm>> -> memref<8x4096xf32, #tpu.memory_space<hbm>>
    %dma_wait3A_129 = arith.constant 0 : i32
    %dma_wait3A_130 = tpu.memref_slice %arg4[%add3A_122, %dma_wait3A_129] : memref<4096x4096xf32, #tpu.memory_space<hbm>> -> memref<8x4096xf32, #tpu.memory_space<hbm>>
    tpu.wait_dma2 semaphore(%arg14 : memref<!tpu.dma_semaphore, #tpu.memory_space<semaphore_mem>>) src(%arg8 : memref<8x4096xf32, #tpu.memory_space<vmem>>) dst(%dma_wait3A_130 : memref<8x4096xf32, #tpu.memory_space<hbm>>)
    %dma_start3A_131 = arith.constant 64 : i32
    %dma_start3A_132 = tpu.memref_slice %arg5[%dma_start3A_131] : memref<128xi32, #tpu.memory_space<vmem>> -> memref<8xi32, #tpu.memory_space<vmem>>
    %dma_start3A_133 = arith.constant 0 : i32
    %dma_start3A_134 = arith.constant 0 : i32
    %dma_start3A_135 = tpu.memref_slice %arg2[%dma_start3A_133, %dma_start3A_134] : memref<512x4096xf32, #tpu.memory_space<hbm>> -> memref<512x4096xf32, #tpu.memory_space<hbm>>
    tpu.enqueue_indirect_dma source(%dma_start3A_135 : memref<512x4096xf32, #tpu.memory_space<hbm>>) target(%arg8 : memref<8x4096xf32, #tpu.memory_space<vmem>>) offsets(%dma_start3A_132 : memref<8xi32, #tpu.memory_space<vmem>>) semaphore(%arg11 : memref<!tpu.dma_semaphore, #tpu.memory_space<semaphore_mem>>)
    %dma_wait3A_136 = arith.constant 48 : i32
    %dma_wait3A_137 = tpu.memref_slice %arg5[%dma_wait3A_136] : memref<128xi32, #tpu.memory_space<vmem>> -> memref<8xi32, #tpu.memory_space<vmem>>
    %dma_wait3A_138 = arith.constant 0 : i32
    %dma_wait3A_139 = arith.constant 0 : i32
    %dma_wait3A_140 = tpu.memref_slice %arg2[%dma_wait3A_138, %dma_wait3A_139] : memref<512x4096xf32, #tpu.memory_space<hbm>> -> memref<512x4096xf32, #tpu.memory_space<hbm>>
    tpu.wait_indirect_dma semaphore(%arg9 : memref<!tpu.dma_semaphore, #tpu.memory_space<semaphore_mem>>) src(%dma_wait3A_140 : memref<512x4096xf32, #tpu.memory_space<hbm>>) dst(%arg6 : memref<8x4096xf32, #tpu.memory_space<vmem>>)
    %add3A_141 = arith.constant 48 : i32
    %add3A_142 = arith.addi %mul3A_2, %add3A_141 : i32
    %dma_start3A_143 = arith.constant 0 : i32
    %dma_start3A_144 = tpu.memref_slice %arg4[%add3A_142, %dma_start3A_143] : memref<4096x4096xf32, #tpu.memory_space<hbm>> -> memref<8x4096xf32, #tpu.memory_space<hbm>>
    %dma_start3A_145 = arith.constant 0 : i32
    %dma_start3A_146 = tpu.memref_slice %arg4[%add3A_142, %dma_start3A_145] : memref<4096x4096xf32, #tpu.memory_space<hbm>> -> memref<8x4096xf32, #tpu.memory_space<hbm>>
    tpu.enqueue_dma source(%arg6 : memref<8x4096xf32, #tpu.memory_space<vmem>>) target(%dma_start3A_146 : memref<8x4096xf32, #tpu.memory_space<hbm>>) target_semaphore(%arg12 : memref<!tpu.dma_semaphore, #tpu.memory_space<semaphore_mem>>)
    %dma_wait3A_147 = arith.constant 0 : i32
    %dma_wait3A_148 = tpu.memref_slice %arg4[%add3A_142, %dma_wait3A_147] : memref<4096x4096xf32, #tpu.memory_space<hbm>> -> memref<8x4096xf32, #tpu.memory_space<hbm>>
    %dma_wait3A_149 = arith.constant 0 : i32
    %dma_wait3A_150 = tpu.memref_slice %arg4[%add3A_142, %dma_wait3A_149] : memref<4096x4096xf32, #tpu.memory_space<hbm>> -> memref<8x4096xf32, #tpu.memory_space<hbm>>
    tpu.wait_dma2 semaphore(%arg12 : memref<!tpu.dma_semaphore, #tpu.memory_space<semaphore_mem>>) src(%arg6 : memref<8x4096xf32, #tpu.memory_space<vmem>>) dst(%dma_wait3A_150 : memref<8x4096xf32, #tpu.memory_space<hbm>>)
    %dma_start3A_151 = arith.constant 72 : i32
    %dma_start3A_152 = tpu.memref_slice %arg5[%dma_start3A_151] : memref<128xi32, #tpu.memory_space<vmem>> -> memref<8xi32, #tpu.memory_space<vmem>>
    %dma_start3A_153 = arith.constant 0 : i32
    %dma_start3A_154 = arith.constant 0 : i32
    %dma_start3A_155 = tpu.memref_slice %arg2[%dma_start3A_153, %dma_start3A_154] : memref<512x4096xf32, #tpu.memory_space<hbm>> -> memref<512x4096xf32, #tpu.memory_space<hbm>>
    tpu.enqueue_indirect_dma source(%dma_start3A_155 : memref<512x4096xf32, #tpu.memory_space<hbm>>) target(%arg6 : memref<8x4096xf32, #tpu.memory_space<vmem>>) offsets(%dma_start3A_152 : memref<8xi32, #tpu.memory_space<vmem>>) semaphore(%arg9 : memref<!tpu.dma_semaphore, #tpu.memory_space<semaphore_mem>>)
    %dma_wait3A_156 = arith.constant 56 : i32
    %dma_wait3A_157 = tpu.memref_slice %arg5[%dma_wait3A_156] : memref<128xi32, #tpu.memory_space<vmem>> -> memref<8xi32, #tpu.memory_space<vmem>>
    %dma_wait3A_158 = arith.constant 0 : i32
    %dma_wait3A_159 = arith.constant 0 : i32
    %dma_wait3A_160 = tpu.memref_slice %arg2[%dma_wait3A_158, %dma_wait3A_159] : memref<512x4096xf32, #tpu.memory_space<hbm>> -> memref<512x4096xf32, #tpu.memory_space<hbm>>
    tpu.wait_indirect_dma semaphore(%arg10 : memref<!tpu.dma_semaphore, #tpu.memory_space<semaphore_mem>>) src(%dma_wait3A_160 : memref<512x4096xf32, #tpu.memory_space<hbm>>) dst(%arg7 : memref<8x4096xf32, #tpu.memory_space<vmem>>)
    %add3A_161 = arith.constant 56 : i32
    %add3A_162 = arith.addi %mul3A_2, %add3A_161 : i32
    %dma_start3A_163 = arith.constant 0 : i32
    %dma_start3A_164 = tpu.memref_slice %arg4[%add3A_162, %dma_start3A_163] : memref<4096x4096xf32, #tpu.memory_space<hbm>> -> memref<8x4096xf32, #tpu.memory_space<hbm>>
    %dma_start3A_165 = arith.constant 0 : i32
    %dma_start3A_166 = tpu.memref_slice %arg4[%add3A_162, %dma_start3A_165] : memref<4096x4096xf32, #tpu.memory_space<hbm>> -> memref<8x4096xf32, #tpu.memory_space<hbm>>
    tpu.enqueue_dma source(%arg7 : memref<8x4096xf32, #tpu.memory_space<vmem>>) target(%dma_start3A_166 : memref<8x4096xf32, #tpu.memory_space<hbm>>) target_semaphore(%arg13 : memref<!tpu.dma_semaphore, #tpu.memory_space<semaphore_mem>>)
    %dma_wait3A_167 = arith.constant 0 : i32
    %dma_wait3A_168 = tpu.memref_slice %arg4[%add3A_162, %dma_wait3A_167] : memref<4096x4096xf32, #tpu.memory_space<hbm>> -> memref<8x4096xf32, #tpu.memory_space<hbm>>
    %dma_wait3A_169 = arith.constant 0 : i32
    %dma_wait3A_170 = tpu.memref_slice %arg4[%add3A_162, %dma_wait3A_169] : memref<4096x4096xf32, #tpu.memory_space<hbm>> -> memref<8x4096xf32, #tpu.memory_space<hbm>>
    tpu.wait_dma2 semaphore(%arg13 : memref<!tpu.dma_semaphore, #tpu.memory_space<semaphore_mem>>) src(%arg7 : memref<8x4096xf32, #tpu.memory_space<vmem>>) dst(%dma_wait3A_170 : memref<8x4096xf32, #tpu.memory_space<hbm>>)
    %dma_start3A_171 = arith.constant 80 : i32
    %dma_start3A_172 = tpu.memref_slice %arg5[%dma_start3A_171] : memref<128xi32, #tpu.memory_space<vmem>> -> memref<8xi32, #tpu.memory_space<vmem>>
    %dma_start3A_173 = arith.constant 0 : i32
    %dma_start3A_174 = arith.constant 0 : i32
    %dma_start3A_175 = tpu.memref_slice %arg2[%dma_start3A_173, %dma_start3A_174] : memref<512x4096xf32, #tpu.memory_space<hbm>> -> memref<512x4096xf32, #tpu.memory_space<hbm>>
    tpu.enqueue_indirect_dma source(%dma_start3A_175 : memref<512x4096xf32, #tpu.memory_space<hbm>>) target(%arg7 : memref<8x4096xf32, #tpu.memory_space<vmem>>) offsets(%dma_start3A_172 : memref<8xi32, #tpu.memory_space<vmem>>) semaphore(%arg10 : memref<!tpu.dma_semaphore, #tpu.memory_space<semaphore_mem>>)
    %dma_wait3A_176 = arith.constant 64 : i32
    %dma_wait3A_177 = tpu.memref_slice %arg5[%dma_wait3A_176] : memref<128xi32, #tpu.memory_space<vmem>> -> memref<8xi32, #tpu.memory_space<vmem>>
    %dma_wait3A_178 = arith.constant 0 : i32
    %dma_wait3A_179 = arith.constant 0 : i32
    %dma_wait3A_180 = tpu.memref_slice %arg2[%dma_wait3A_178, %dma_wait3A_179] : memref<512x4096xf32, #tpu.memory_space<hbm>> -> memref<512x4096xf32, #tpu.memory_space<hbm>>
    tpu.wait_indirect_dma semaphore(%arg11 : memref<!tpu.dma_semaphore, #tpu.memory_space<semaphore_mem>>) src(%dma_wait3A_180 : memref<512x4096xf32, #tpu.memory_space<hbm>>) dst(%arg8 : memref<8x4096xf32, #tpu.memory_space<vmem>>)
    %add3A_181 = arith.constant 64 : i32
    %add3A_182 = arith.addi %mul3A_2, %add3A_181 : i32
    %dma_start3A_183 = arith.constant 0 : i32
    %dma_start3A_184 = tpu.memref_slice %arg4[%add3A_182, %dma_start3A_183] : memref<4096x4096xf32, #tpu.memory_space<hbm>> -> memref<8x4096xf32, #tpu.memory_space<hbm>>
    %dma_start3A_185 = arith.constant 0 : i32
    %dma_start3A_186 = tpu.memref_slice %arg4[%add3A_182, %dma_start3A_185] : memref<4096x4096xf32, #tpu.memory_space<hbm>> -> memref<8x4096xf32, #tpu.memory_space<hbm>>
    tpu.enqueue_dma source(%arg8 : memref<8x4096xf32, #tpu.memory_space<vmem>>) target(%dma_start3A_186 : memref<8x4096xf32, #tpu.memory_space<hbm>>) target_semaphore(%arg14 : memref<!tpu.dma_semaphore, #tpu.memory_space<semaphore_mem>>)
    %dma_wait3A_187 = arith.constant 0 : i32
    %dma_wait3A_188 = tpu.memref_slice %arg4[%add3A_182, %dma_wait3A_187] : memref<4096x4096xf32, #tpu.memory_space<hbm>> -> memref<8x4096xf32, #tpu.memory_space<hbm>>
    %dma_wait3A_189 = arith.constant 0 : i32
    %dma_wait3A_190 = tpu.memref_slice %arg4[%add3A_182, %dma_wait3A_189] : memref<4096x4096xf32, #tpu.memory_space<hbm>> -> memref<8x4096xf32, #tpu.memory_space<hbm>>
    tpu.wait_dma2 semaphore(%arg14 : memref<!tpu.dma_semaphore, #tpu.memory_space<semaphore_mem>>) src(%arg8 : memref<8x4096xf32, #tpu.memory_space<vmem>>) dst(%dma_wait3A_190 : memref<8x4096xf32, #tpu.memory_space<hbm>>)
    %dma_start3A_191 = arith.constant 88 : i32
    %dma_start3A_192 = tpu.memref_slice %arg5[%dma_start3A_191] : memref<128xi32, #tpu.memory_space<vmem>> -> memref<8xi32, #tpu.memory_space<vmem>>
    %dma_start3A_193 = arith.constant 0 : i32
    %dma_start3A_194 = arith.constant 0 : i32
    %dma_start3A_195 = tpu.memref_slice %arg2[%dma_start3A_193, %dma_start3A_194] : memref<512x4096xf32, #tpu.memory_space<hbm>> -> memref<512x4096xf32, #tpu.memory_space<hbm>>
    tpu.enqueue_indirect_dma source(%dma_start3A_195 : memref<512x4096xf32, #tpu.memory_space<hbm>>) target(%arg8 : memref<8x4096xf32, #tpu.memory_space<vmem>>) offsets(%dma_start3A_192 : memref<8xi32, #tpu.memory_space<vmem>>) semaphore(%arg11 : memref<!tpu.dma_semaphore, #tpu.memory_space<semaphore_mem>>)
    %dma_wait3A_196 = arith.constant 72 : i32
    %dma_wait3A_197 = tpu.memref_slice %arg5[%dma_wait3A_196] : memref<128xi32, #tpu.memory_space<vmem>> -> memref<8xi32, #tpu.memory_space<vmem>>
    %dma_wait3A_198 = arith.constant 0 : i32
    %dma_wait3A_199 = arith.constant 0 : i32
    %dma_wait3A_200 = tpu.memref_slice %arg2[%dma_wait3A_198, %dma_wait3A_199] : memref<512x4096xf32, #tpu.memory_space<hbm>> -> memref<512x4096xf32, #tpu.memory_space<hbm>>
    tpu.wait_indirect_dma semaphore(%arg9 : memref<!tpu.dma_semaphore, #tpu.memory_space<semaphore_mem>>) src(%dma_wait3A_200 : memref<512x4096xf32, #tpu.memory_space<hbm>>) dst(%arg6 : memref<8x4096xf32, #tpu.memory_space<vmem>>)
    %add3A_201 = arith.constant 72 : i32
    %add3A_202 = arith.addi %mul3A_2, %add3A_201 : i32
    %dma_start3A_203 = arith.constant 0 : i32
    %dma_start3A_204 = tpu.memref_slice %arg4[%add3A_202, %dma_start3A_203] : memref<4096x4096xf32, #tpu.memory_space<hbm>> -> memref<8x4096xf32, #tpu.memory_space<hbm>>
    %dma_start3A_205 = arith.constant 0 : i32
    %dma_start3A_206 = tpu.memref_slice %arg4[%add3A_202, %dma_start3A_205] : memref<4096x4096xf32, #tpu.memory_space<hbm>> -> memref<8x4096xf32, #tpu.memory_space<hbm>>
    tpu.enqueue_dma source(%arg6 : memref<8x4096xf32, #tpu.memory_space<vmem>>) target(%dma_start3A_206 : memref<8x4096xf32, #tpu.memory_space<hbm>>) target_semaphore(%arg12 : memref<!tpu.dma_semaphore, #tpu.memory_space<semaphore_mem>>)
    %dma_wait3A_207 = arith.constant 0 : i32
    %dma_wait3A_208 = tpu.memref_slice %arg4[%add3A_202, %dma_wait3A_207] : memref<4096x4096xf32, #tpu.memory_space<hbm>> -> memref<8x4096xf32, #tpu.memory_space<hbm>>
    %dma_wait3A_209 = arith.constant 0 : i32
    %dma_wait3A_210 = tpu.memref_slice %arg4[%add3A_202, %dma_wait3A_209] : memref<4096x4096xf32, #tpu.memory_space<hbm>> -> memref<8x4096xf32, #tpu.memory_space<hbm>>
    tpu.wait_dma2 semaphore(%arg12 : memref<!tpu.dma_semaphore, #tpu.memory_space<semaphore_mem>>) src(%arg6 : memref<8x4096xf32, #tpu.memory_space<vmem>>) dst(%dma_wait3A_210 : memref<8x4096xf32, #tpu.memory_space<hbm>>)
    %dma_start3A_211 = arith.constant 96 : i32
    %dma_start3A_212 = tpu.memref_slice %arg5[%dma_start3A_211] : memref<128xi32, #tpu.memory_space<vmem>> -> memref<8xi32, #tpu.memory_space<vmem>>
    %dma_start3A_213 = arith.constant 0 : i32
    %dma_start3A_214 = arith.constant 0 : i32
    %dma_start3A_215 = tpu.memref_slice %arg2[%dma_start3A_213, %dma_start3A_214] : memref<512x4096xf32, #tpu.memory_space<hbm>> -> memref<512x4096xf32, #tpu.memory_space<hbm>>
    tpu.enqueue_indirect_dma source(%dma_start3A_215 : memref<512x4096xf32, #tpu.memory_space<hbm>>) target(%arg6 : memref<8x4096xf32, #tpu.memory_space<vmem>>) offsets(%dma_start3A_212 : memref<8xi32, #tpu.memory_space<vmem>>) semaphore(%arg9 : memref<!tpu.dma_semaphore, #tpu.memory_space<semaphore_mem>>)
    %dma_wait3A_216 = arith.constant 80 : i32
    %dma_wait3A_217 = tpu.memref_slice %arg5[%dma_wait3A_216] : memref<128xi32, #tpu.memory_space<vmem>> -> memref<8xi32, #tpu.memory_space<vmem>>
    %dma_wait3A_218 = arith.constant 0 : i32
    %dma_wait3A_219 = arith.constant 0 : i32
    %dma_wait3A_220 = tpu.memref_slice %arg2[%dma_wait3A_218, %dma_wait3A_219] : memref<512x4096xf32, #tpu.memory_space<hbm>> -> memref<512x4096xf32, #tpu.memory_space<hbm>>
    tpu.wait_indirect_dma semaphore(%arg10 : memref<!tpu.dma_semaphore, #tpu.memory_space<semaphore_mem>>) src(%dma_wait3A_220 : memref<512x4096xf32, #tpu.memory_space<hbm>>) dst(%arg7 : memref<8x4096xf32, #tpu.memory_space<vmem>>)
    %add3A_221 = arith.constant 80 : i32
    %add3A_222 = arith.addi %mul3A_2, %add3A_221 : i32
    %dma_start3A_223 = arith.constant 0 : i32
    %dma_start3A_224 = tpu.memref_slice %arg4[%add3A_222, %dma_start3A_223] : memref<4096x4096xf32, #tpu.memory_space<hbm>> -> memref<8x4096xf32, #tpu.memory_space<hbm>>
    %dma_start3A_225 = arith.constant 0 : i32
    %dma_start3A_226 = tpu.memref_slice %arg4[%add3A_222, %dma_start3A_225] : memref<4096x4096xf32, #tpu.memory_space<hbm>> -> memref<8x4096xf32, #tpu.memory_space<hbm>>
    tpu.enqueue_dma source(%arg7 : memref<8x4096xf32, #tpu.memory_space<vmem>>) target(%dma_start3A_226 : memref<8x4096xf32, #tpu.memory_space<hbm>>) target_semaphore(%arg13 : memref<!tpu.dma_semaphore, #tpu.memory_space<semaphore_mem>>)
    %dma_wait3A_227 = arith.constant 0 : i32
    %dma_wait3A_228 = tpu.memref_slice %arg4[%add3A_222, %dma_wait3A_227] : memref<4096x4096xf32, #tpu.memory_space<hbm>> -> memref<8x4096xf32, #tpu.memory_space<hbm>>
    %dma_wait3A_229 = arith.constant 0 : i32
    %dma_wait3A_230 = tpu.memref_slice %arg4[%add3A_222, %dma_wait3A_229] : memref<4096x4096xf32, #tpu.memory_space<hbm>> -> memref<8x4096xf32, #tpu.memory_space<hbm>>
    tpu.wait_dma2 semaphore(%arg13 : memref<!tpu.dma_semaphore, #tpu.memory_space<semaphore_mem>>) src(%arg7 : memref<8x4096xf32, #tpu.memory_space<vmem>>) dst(%dma_wait3A_230 : memref<8x4096xf32, #tpu.memory_space<hbm>>)
    %dma_start3A_231 = arith.constant 104 : i32
    %dma_start3A_232 = tpu.memref_slice %arg5[%dma_start3A_231] : memref<128xi32, #tpu.memory_space<vmem>> -> memref<8xi32, #tpu.memory_space<vmem>>
    %dma_start3A_233 = arith.constant 0 : i32
    %dma_start3A_234 = arith.constant 0 : i32
    %dma_start3A_235 = tpu.memref_slice %arg2[%dma_start3A_233, %dma_start3A_234] : memref<512x4096xf32, #tpu.memory_space<hbm>> -> memref<512x4096xf32, #tpu.memory_space<hbm>>
    tpu.enqueue_indirect_dma source(%dma_start3A_235 : memref<512x4096xf32, #tpu.memory_space<hbm>>) target(%arg7 : memref<8x4096xf32, #tpu.memory_space<vmem>>) offsets(%dma_start3A_232 : memref<8xi32, #tpu.memory_space<vmem>>) semaphore(%arg10 : memref<!tpu.dma_semaphore, #tpu.memory_space<semaphore_mem>>)
    %dma_wait3A_236 = arith.constant 88 : i32
    %dma_wait3A_237 = tpu.memref_slice %arg5[%dma_wait3A_236] : memref<128xi32, #tpu.memory_space<vmem>> -> memref<8xi32, #tpu.memory_space<vmem>>
    %dma_wait3A_238 = arith.constant 0 : i32
    %dma_wait3A_239 = arith.constant 0 : i32
    %dma_wait3A_240 = tpu.memref_slice %arg2[%dma_wait3A_238, %dma_wait3A_239] : memref<512x4096xf32, #tpu.memory_space<hbm>> -> memref<512x4096xf32, #tpu.memory_space<hbm>>
    tpu.wait_indirect_dma semaphore(%arg11 : memref<!tpu.dma_semaphore, #tpu.memory_space<semaphore_mem>>) src(%dma_wait3A_240 : memref<512x4096xf32, #tpu.memory_space<hbm>>) dst(%arg8 : memref<8x4096xf32, #tpu.memory_space<vmem>>)
    %add3A_241 = arith.constant 88 : i32
    %add3A_242 = arith.addi %mul3A_2, %add3A_241 : i32
    %dma_start3A_243 = arith.constant 0 : i32
    %dma_start3A_244 = tpu.memref_slice %arg4[%add3A_242, %dma_start3A_243] : memref<4096x4096xf32, #tpu.memory_space<hbm>> -> memref<8x4096xf32, #tpu.memory_space<hbm>>
    %dma_start3A_245 = arith.constant 0 : i32
    %dma_start3A_246 = tpu.memref_slice %arg4[%add3A_242, %dma_start3A_245] : memref<4096x4096xf32, #tpu.memory_space<hbm>> -> memref<8x4096xf32, #tpu.memory_space<hbm>>
    tpu.enqueue_dma source(%arg8 : memref<8x4096xf32, #tpu.memory_space<vmem>>) target(%dma_start3A_246 : memref<8x4096xf32, #tpu.memory_space<hbm>>) target_semaphore(%arg14 : memref<!tpu.dma_semaphore, #tpu.memory_space<semaphore_mem>>)
    %dma_wait3A_247 = arith.constant 0 : i32
    %dma_wait3A_248 = tpu.memref_slice %arg4[%add3A_242, %dma_wait3A_247] : memref<4096x4096xf32, #tpu.memory_space<hbm>> -> memref<8x4096xf32, #tpu.memory_space<hbm>>
    %dma_wait3A_249 = arith.constant 0 : i32
    %dma_wait3A_250 = tpu.memref_slice %arg4[%add3A_242, %dma_wait3A_249] : memref<4096x4096xf32, #tpu.memory_space<hbm>> -> memref<8x4096xf32, #tpu.memory_space<hbm>>
    tpu.wait_dma2 semaphore(%arg14 : memref<!tpu.dma_semaphore, #tpu.memory_space<semaphore_mem>>) src(%arg8 : memref<8x4096xf32, #tpu.memory_space<vmem>>) dst(%dma_wait3A_250 : memref<8x4096xf32, #tpu.memory_space<hbm>>)
    %dma_start3A_251 = arith.constant 112 : i32
    %dma_start3A_252 = tpu.memref_slice %arg5[%dma_start3A_251] : memref<128xi32, #tpu.memory_space<vmem>> -> memref<8xi32, #tpu.memory_space<vmem>>
    %dma_start3A_253 = arith.constant 0 : i32
    %dma_start3A_254 = arith.constant 0 : i32
    %dma_start3A_255 = tpu.memref_slice %arg2[%dma_start3A_253, %dma_start3A_254] : memref<512x4096xf32, #tpu.memory_space<hbm>> -> memref<512x4096xf32, #tpu.memory_space<hbm>>
    tpu.enqueue_indirect_dma source(%dma_start3A_255 : memref<512x4096xf32, #tpu.memory_space<hbm>>) target(%arg8 : memref<8x4096xf32, #tpu.memory_space<vmem>>) offsets(%dma_start3A_252 : memref<8xi32, #tpu.memory_space<vmem>>) semaphore(%arg11 : memref<!tpu.dma_semaphore, #tpu.memory_space<semaphore_mem>>)
    %dma_wait3A_256 = arith.constant 96 : i32
    %dma_wait3A_257 = tpu.memref_slice %arg5[%dma_wait3A_256] : memref<128xi32, #tpu.memory_space<vmem>> -> memref<8xi32, #tpu.memory_space<vmem>>
    %dma_wait3A_258 = arith.constant 0 : i32
    %dma_wait3A_259 = arith.constant 0 : i32
    %dma_wait3A_260 = tpu.memref_slice %arg2[%dma_wait3A_258, %dma_wait3A_259] : memref<512x4096xf32, #tpu.memory_space<hbm>> -> memref<512x4096xf32, #tpu.memory_space<hbm>>
    tpu.wait_indirect_dma semaphore(%arg9 : memref<!tpu.dma_semaphore, #tpu.memory_space<semaphore_mem>>) src(%dma_wait3A_260 : memref<512x4096xf32, #tpu.memory_space<hbm>>) dst(%arg6 : memref<8x4096xf32, #tpu.memory_space<vmem>>)
    %add3A_261 = arith.constant 96 : i32
    %add3A_262 = arith.addi %mul3A_2, %add3A_261 : i32
    %dma_start3A_263 = arith.constant 0 : i32
    %dma_start3A_264 = tpu.memref_slice %arg4[%add3A_262, %dma_start3A_263] : memref<4096x4096xf32, #tpu.memory_space<hbm>> -> memref<8x4096xf32, #tpu.memory_space<hbm>>
    %dma_start3A_265 = arith.constant 0 : i32
    %dma_start3A_266 = tpu.memref_slice %arg4[%add3A_262, %dma_start3A_265] : memref<4096x4096xf32, #tpu.memory_space<hbm>> -> memref<8x4096xf32, #tpu.memory_space<hbm>>
    tpu.enqueue_dma source(%arg6 : memref<8x4096xf32, #tpu.memory_space<vmem>>) target(%dma_start3A_266 : memref<8x4096xf32, #tpu.memory_space<hbm>>) target_semaphore(%arg12 : memref<!tpu.dma_semaphore, #tpu.memory_space<semaphore_mem>>)
    %dma_wait3A_267 = arith.constant 0 : i32
    %dma_wait3A_268 = tpu.memref_slice %arg4[%add3A_262, %dma_wait3A_267] : memref<4096x4096xf32, #tpu.memory_space<hbm>> -> memref<8x4096xf32, #tpu.memory_space<hbm>>
    %dma_wait3A_269 = arith.constant 0 : i32
    %dma_wait3A_270 = tpu.memref_slice %arg4[%add3A_262, %dma_wait3A_269] : memref<4096x4096xf32, #tpu.memory_space<hbm>> -> memref<8x4096xf32, #tpu.memory_space<hbm>>
    tpu.wait_dma2 semaphore(%arg12 : memref<!tpu.dma_semaphore, #tpu.memory_space<semaphore_mem>>) src(%arg6 : memref<8x4096xf32, #tpu.memory_space<vmem>>) dst(%dma_wait3A_270 : memref<8x4096xf32, #tpu.memory_space<hbm>>)
    %dma_start3A_271 = arith.constant 120 : i32
    %dma_start3A_272 = tpu.memref_slice %arg5[%dma_start3A_271] : memref<128xi32, #tpu.memory_space<vmem>> -> memref<8xi32, #tpu.memory_space<vmem>>
    %dma_start3A_273 = arith.constant 0 : i32
    %dma_start3A_274 = arith.constant 0 : i32
    %dma_start3A_275 = tpu.memref_slice %arg2[%dma_start3A_273, %dma_start3A_274] : memref<512x4096xf32, #tpu.memory_space<hbm>> -> memref<512x4096xf32, #tpu.memory_space<hbm>>
    tpu.enqueue_indirect_dma source(%dma_start3A_275 : memref<512x4096xf32, #tpu.memory_space<hbm>>) target(%arg6 : memref<8x4096xf32, #tpu.memory_space<vmem>>) offsets(%dma_start3A_272 : memref<8xi32, #tpu.memory_space<vmem>>) semaphore(%arg9 : memref<!tpu.dma_semaphore, #tpu.memory_space<semaphore_mem>>)
    %dma_wait3A_276 = arith.constant 104 : i32
    %dma_wait3A_277 = tpu.memref_slice %arg5[%dma_wait3A_276] : memref<128xi32, #tpu.memory_space<vmem>> -> memref<8xi32, #tpu.memory_space<vmem>>
    %dma_wait3A_278 = arith.constant 0 : i32
    %dma_wait3A_279 = arith.constant 0 : i32
    %dma_wait3A_280 = tpu.memref_slice %arg2[%dma_wait3A_278, %dma_wait3A_279] : memref<512x4096xf32, #tpu.memory_space<hbm>> -> memref<512x4096xf32, #tpu.memory_space<hbm>>
    tpu.wait_indirect_dma semaphore(%arg10 : memref<!tpu.dma_semaphore, #tpu.memory_space<semaphore_mem>>) src(%dma_wait3A_280 : memref<512x4096xf32, #tpu.memory_space<hbm>>) dst(%arg7 : memref<8x4096xf32, #tpu.memory_space<vmem>>)
    %add3A_281 = arith.constant 104 : i32
    %add3A_282 = arith.addi %mul3A_2, %add3A_281 : i32
    %dma_start3A_283 = arith.constant 0 : i32
    %dma_start3A_284 = tpu.memref_slice %arg4[%add3A_282, %dma_start3A_283] : memref<4096x4096xf32, #tpu.memory_space<hbm>> -> memref<8x4096xf32, #tpu.memory_space<hbm>>
    %dma_start3A_285 = arith.constant 0 : i32
    %dma_start3A_286 = tpu.memref_slice %arg4[%add3A_282, %dma_start3A_285] : memref<4096x4096xf32, #tpu.memory_space<hbm>> -> memref<8x4096xf32, #tpu.memory_space<hbm>>
    tpu.enqueue_dma source(%arg7 : memref<8x4096xf32, #tpu.memory_space<vmem>>) target(%dma_start3A_286 : memref<8x4096xf32, #tpu.memory_space<hbm>>) target_semaphore(%arg13 : memref<!tpu.dma_semaphore, #tpu.memory_space<semaphore_mem>>)
    %dma_wait3A_287 = arith.constant 112 : i32
    %dma_wait3A_288 = tpu.memref_slice %arg5[%dma_wait3A_287] : memref<128xi32, #tpu.memory_space<vmem>> -> memref<8xi32, #tpu.memory_space<vmem>>
    %dma_wait3A_289 = arith.constant 0 : i32
    %dma_wait3A_290 = arith.constant 0 : i32
    %dma_wait3A_291 = tpu.memref_slice %arg2[%dma_wait3A_289, %dma_wait3A_290] : memref<512x4096xf32, #tpu.memory_space<hbm>> -> memref<512x4096xf32, #tpu.memory_space<hbm>>
    tpu.wait_indirect_dma semaphore(%arg11 : memref<!tpu.dma_semaphore, #tpu.memory_space<semaphore_mem>>) src(%dma_wait3A_291 : memref<512x4096xf32, #tpu.memory_space<hbm>>) dst(%arg8 : memref<8x4096xf32, #tpu.memory_space<vmem>>)
    %add3A_292 = arith.constant 112 : i32
    %add3A_293 = arith.addi %mul3A_2, %add3A_292 : i32
    %dma_start3A_294 = arith.constant 0 : i32
    %dma_start3A_295 = tpu.memref_slice %arg4[%add3A_293, %dma_start3A_294] : memref<4096x4096xf32, #tpu.memory_space<hbm>> -> memref<8x4096xf32, #tpu.memory_space<hbm>>
    %dma_start3A_296 = arith.constant 0 : i32
    %dma_start3A_297 = tpu.memref_slice %arg4[%add3A_293, %dma_start3A_296] : memref<4096x4096xf32, #tpu.memory_space<hbm>> -> memref<8x4096xf32, #tpu.memory_space<hbm>>
    tpu.enqueue_dma source(%arg8 : memref<8x4096xf32, #tpu.memory_space<vmem>>) target(%dma_start3A_297 : memref<8x4096xf32, #tpu.memory_space<hbm>>) target_semaphore(%arg14 : memref<!tpu.dma_semaphore, #tpu.memory_space<semaphore_mem>>)
    %dma_wait3A_298 = arith.constant 120 : i32
    %dma_wait3A_299 = tpu.memref_slice %arg5[%dma_wait3A_298] : memref<128xi32, #tpu.memory_space<vmem>> -> memref<8xi32, #tpu.memory_space<vmem>>
    %dma_wait3A_300 = arith.constant 0 : i32
    %dma_wait3A_301 = arith.constant 0 : i32
    %dma_wait3A_302 = tpu.memref_slice %arg2[%dma_wait3A_300, %dma_wait3A_301] : memref<512x4096xf32, #tpu.memory_space<hbm>> -> memref<512x4096xf32, #tpu.memory_space<hbm>>
    tpu.wait_indirect_dma semaphore(%arg9 : memref<!tpu.dma_semaphore, #tpu.memory_space<semaphore_mem>>) src(%dma_wait3A_302 : memref<512x4096xf32, #tpu.memory_space<hbm>>) dst(%arg6 : memref<8x4096xf32, #tpu.memory_space<vmem>>)
    %add3A_303 = arith.constant 120 : i32
    %add3A_304 = arith.addi %mul3A_2, %add3A_303 : i32
    %dma_start3A_305 = arith.constant 0 : i32
    %dma_start3A_306 = tpu.memref_slice %arg4[%add3A_304, %dma_start3A_305] : memref<4096x4096xf32, #tpu.memory_space<hbm>> -> memref<8x4096xf32, #tpu.memory_space<hbm>>
    %dma_start3A_307 = arith.constant 0 : i32
    %dma_start3A_308 = tpu.memref_slice %arg4[%add3A_304, %dma_start3A_307] : memref<4096x4096xf32, #tpu.memory_space<hbm>> -> memref<8x4096xf32, #tpu.memory_space<hbm>>
    tpu.enqueue_dma source(%arg6 : memref<8x4096xf32, #tpu.memory_space<vmem>>) target(%dma_start3A_308 : memref<8x4096xf32, #tpu.memory_space<hbm>>) target_semaphore(%arg12 : memref<!tpu.dma_semaphore, #tpu.memory_space<semaphore_mem>>)
    %dma_wait3A_309 = arith.constant 0 : i32
    %dma_wait3A_310 = tpu.memref_slice %arg4[%add3A_282, %dma_wait3A_309] : memref<4096x4096xf32, #tpu.memory_space<hbm>> -> memref<8x4096xf32, #tpu.memory_space<hbm>>
    %dma_wait3A_311 = arith.constant 0 : i32
    %dma_wait3A_312 = tpu.memref_slice %arg4[%add3A_282, %dma_wait3A_311] : memref<4096x4096xf32, #tpu.memory_space<hbm>> -> memref<8x4096xf32, #tpu.memory_space<hbm>>
    tpu.wait_dma2 semaphore(%arg13 : memref<!tpu.dma_semaphore, #tpu.memory_space<semaphore_mem>>) src(%arg7 : memref<8x4096xf32, #tpu.memory_space<vmem>>) dst(%dma_wait3A_312 : memref<8x4096xf32, #tpu.memory_space<hbm>>)
    %dma_wait3A_313 = arith.constant 0 : i32
    %dma_wait3A_314 = tpu.memref_slice %arg4[%add3A_293, %dma_wait3A_313] : memref<4096x4096xf32, #tpu.memory_space<hbm>> -> memref<8x4096xf32, #tpu.memory_space<hbm>>
    %dma_wait3A_315 = arith.constant 0 : i32
    %dma_wait3A_316 = tpu.memref_slice %arg4[%add3A_293, %dma_wait3A_315] : memref<4096x4096xf32, #tpu.memory_space<hbm>> -> memref<8x4096xf32, #tpu.memory_space<hbm>>
    tpu.wait_dma2 semaphore(%arg14 : memref<!tpu.dma_semaphore, #tpu.memory_space<semaphore_mem>>) src(%arg8 : memref<8x4096xf32, #tpu.memory_space<vmem>>) dst(%dma_wait3A_316 : memref<8x4096xf32, #tpu.memory_space<hbm>>)
    %dma_wait3A_317 = arith.constant 0 : i32
    %dma_wait3A_318 = tpu.memref_slice %arg4[%add3A_304, %dma_wait3A_317] : memref<4096x4096xf32, #tpu.memory_space<hbm>> -> memref<8x4096xf32, #tpu.memory_space<hbm>>
    %dma_wait3A_319 = arith.constant 0 : i32
    %dma_wait3A_320 = tpu.memref_slice %arg4[%add3A_304, %dma_wait3A_319] : memref<4096x4096xf32, #tpu.memory_space<hbm>> -> memref<8x4096xf32, #tpu.memory_space<hbm>>
    tpu.wait_dma2 semaphore(%arg12 : memref<!tpu.dma_semaphore, #tpu.memory_space<semaphore_mem>>) src(%arg6 : memref<8x4096xf32, #tpu.memory_space<vmem>>) dst(%dma_wait3A_320 : memref<8x4096xf32, #tpu.memory_space<hbm>>)
    return
  }
}

module attributes {stable_mosaic.version = 14 : i64} {
  func.func @_stage_a(%arg0: i32, %arg1: memref<512x2048xf32, #tpu.memory_space<vmem>>, %arg2: memref<2048x1024xf32, #tpu.memory_space<vmem>>, %arg3: memref<1x1024xf32, #tpu.memory_space<vmem>>, %arg4: memref<1024x64xf32, #tpu.memory_space<vmem>>, %arg5: memref<1x64xf32, #tpu.memory_space<vmem>>, %arg6: memref<1024x64xf32, #tpu.memory_space<vmem>>, %arg7: memref<1x64xf32, #tpu.memory_space<vmem>>, %arg8: memref<512x64xf32, #tpu.memory_space<vmem>>, %arg9: memref<512x512xf32, #tpu.memory_space<vmem>>, %arg10: memref<512x1024xf32, #tpu.memory_space<vmem>>, %arg11: memref<512x64xf32, #tpu.memory_space<vmem>>, %arg12: memref<512x64xf32, #tpu.memory_space<vmem>>, %arg13: memref<512x512xf32, #tpu.memory_space<vmem>>, %arg14: memref<1x1x512xi32, #tpu.memory_space<vmem>>, %arg15: memref<512x512xf32, #tpu.memory_space<vmem>>, %arg16: memref<512x1xf32, #tpu.memory_space<vmem>>, %arg17: memref<1x512xf32, #tpu.memory_space<vmem>>) attributes {dimension_semantics = [#tpu.dimension_semantics<arbitrary>], iteration_bounds = array<i64: 8>, scalar_prefetch = 0 : i64, scratch_operands = 1 : i64, tpu.core_type = #tpu.core_type<tc>, window_params = [{transform_indices = @transform_0, window_bounds = array<i64: 512, 2048>}, {pipeline_mode = #tpu.pipeline_mode<synchronous>, transform_indices = @transform_1, window_bounds = array<i64: 2048, 1024>}, {pipeline_mode = #tpu.pipeline_mode<synchronous>, transform_indices = @transform_2, window_bounds = array<i64: 1, 1024>}, {pipeline_mode = #tpu.pipeline_mode<synchronous>, transform_indices = @transform_3, window_bounds = array<i64: 1024, 64>}, {pipeline_mode = #tpu.pipeline_mode<synchronous>, transform_indices = @transform_4, window_bounds = array<i64: 1, 64>}, {pipeline_mode = #tpu.pipeline_mode<synchronous>, transform_indices = @transform_5, window_bounds = array<i64: 1024, 64>}, {pipeline_mode = #tpu.pipeline_mode<synchronous>, transform_indices = @transform_6, window_bounds = array<i64: 1, 64>}, {pipeline_mode = #tpu.pipeline_mode<synchronous>, transform_indices = @transform_7, window_bounds = array<i64: 512, 64>}, {pipeline_mode = #tpu.pipeline_mode<synchronous>, transform_indices = @transform_8, window_bounds = array<i64: 512, 512>}, {transform_indices = @transform_9, window_bounds = array<i64: 512, 1024>}, {transform_indices = @transform_10, window_bounds = array<i64: 512, 64>}, {transform_indices = @transform_11, window_bounds = array<i64: 512, 64>}, {transform_indices = @transform_12, window_bounds = array<i64: 512, 512>}, {transform_indices = @transform_13, window_bounds = array<i64: 1, 1, 512>}, {transform_indices = @transform_14, window_bounds = array<i64: 512, 512>}, {pipeline_mode = #tpu.pipeline_mode<synchronous>, transform_indices = @transform_15, window_bounds = array<i64: 512, 1>}]} {
    %get3A = arith.constant 0 : index
    %get3A_0 = arith.constant 0 : index
    %get3A_1 = vector.load %arg1[%get3A, %get3A_0] : memref<512x2048xf32, #tpu.memory_space<vmem>>, vector<512x2048xf32>
    %get3A_2 = arith.constant 0 : index
    %get3A_3 = arith.constant 0 : index
    %get3A_4 = vector.load %arg2[%get3A_2, %get3A_3] : memref<2048x1024xf32, #tpu.memory_space<vmem>>, vector<2048x1024xf32>
    %dot_general3A = arith.constant dense<0.000000e+00> : vector<512x1024xf32>
    %dot_general3A_5 = tpu.matmul %get3A_1, %get3A_4, %dot_general3A {dimension_numbers = #tpu.dot_dimension_numbers<[1], [0], [0], [1], [0, 0, 1, 1], [], []>, transpose_lhs_hint = false} : vector<512x2048xf32>, vector<2048x1024xf32>, vector<512x1024xf32> -> vector<512x1024xf32>
    %get3A_6 = arith.constant 0 : index
    %get3A_7 = arith.constant 0 : index
    %get3A_8 = vector.load %arg3[%get3A_6, %get3A_7] : memref<1x1024xf32, #tpu.memory_space<vmem>>, vector<1x1024xf32>
    %add3A = vector.broadcast %get3A_8 : vector<1x1024xf32> to vector<512x1024xf32>
    %add3A_9 = arith.addf %dot_general3A_5, %add3A : vector<512x1024xf32>
    %max3A = arith.constant 0.000000e+00 : f32
    %max3A_10 = vector.broadcast %max3A : f32 to vector<512x1024xf32>
    %max3A_11 = arith.maximumf %add3A_9, %max3A_10 : vector<512x1024xf32>
    %swap3A = arith.constant 0 : index
    %swap3A_12 = arith.constant 0 : index
    %swap3A_13 = vector.load %arg10[%swap3A, %swap3A_12] : memref<512x1024xf32, #tpu.memory_space<vmem>>, vector<512x1024xf32>
    tpu.vector_store %arg10[%swap3A, %swap3A_12], %max3A_11 {strides = array<i32>} : memref<512x1024xf32, #tpu.memory_space<vmem>>, vector<512x1024xf32>,
    %get3A_14 = arith.constant 0 : index
    %get3A_15 = arith.constant 0 : index
    %get3A_16 = vector.load %arg4[%get3A_14, %get3A_15] : memref<1024x64xf32, #tpu.memory_space<vmem>>, vector<1024x64xf32>
    %dot_general3A_17 = arith.constant dense<0.000000e+00> : vector<512x64xf32>
    %dot_general3A_18 = tpu.matmul %max3A_11, %get3A_16, %dot_general3A_17 {dimension_numbers = #tpu.dot_dimension_numbers<[1], [0], [0], [1], [0, 0, 1, 1], [], []>, transpose_lhs_hint = false} : vector<512x1024xf32>, vector<1024x64xf32>, vector<512x64xf32> -> vector<512x64xf32>
    %get3A_19 = arith.constant 0 : index
    %get3A_20 = arith.constant 0 : index
    %get3A_21 = vector.load %arg5[%get3A_19, %get3A_20] : memref<1x64xf32, #tpu.memory_space<vmem>>, vector<1x64xf32>
    %add3A_22 = vector.broadcast %get3A_21 : vector<1x64xf32> to vector<512x64xf32>
    %add3A_23 = arith.addf %dot_general3A_18, %add3A_22 : vector<512x64xf32>
    %get3A_24 = arith.constant 0 : index
    %get3A_25 = arith.constant 0 : index
    %get3A_26 = vector.load %arg6[%get3A_24, %get3A_25] : memref<1024x64xf32, #tpu.memory_space<vmem>>, vector<1024x64xf32>
    %dot_general3A_27 = arith.constant dense<0.000000e+00> : vector<512x64xf32>
    %dot_general3A_28 = tpu.matmul %max3A_11, %get3A_26, %dot_general3A_27 {dimension_numbers = #tpu.dot_dimension_numbers<[1], [0], [0], [1], [0, 0, 1, 1], [], []>, transpose_lhs_hint = false} : vector<512x1024xf32>, vector<1024x64xf32>, vector<512x64xf32> -> vector<512x64xf32>
    %get3A_29 = arith.constant 0 : index
    %get3A_30 = arith.constant 0 : index
    %get3A_31 = vector.load %arg7[%get3A_29, %get3A_30] : memref<1x64xf32, #tpu.memory_space<vmem>>, vector<1x64xf32>
    %add3A_32 = vector.broadcast %get3A_31 : vector<1x64xf32> to vector<512x64xf32>
    %add3A_33 = arith.addf %dot_general3A_28, %add3A_32 : vector<512x64xf32>
    %swap3A_34 = arith.constant 0 : index
    %swap3A_35 = arith.constant 0 : index
    %swap3A_36 = vector.load %arg11[%swap3A_34, %swap3A_35] : memref<512x64xf32, #tpu.memory_space<vmem>>, vector<512x64xf32>
    tpu.vector_store %arg11[%swap3A_34, %swap3A_35], %add3A_23 {strides = array<i32>} : memref<512x64xf32, #tpu.memory_space<vmem>>, vector<512x64xf32>,
    %swap3A_37 = arith.constant 0 : index
    %swap3A_38 = arith.constant 0 : index
    %swap3A_39 = vector.load %arg12[%swap3A_37, %swap3A_38] : memref<512x64xf32, #tpu.memory_space<vmem>>, vector<512x64xf32>
    tpu.vector_store %arg12[%swap3A_37, %swap3A_38], %add3A_33 {strides = array<i32>} : memref<512x64xf32, #tpu.memory_space<vmem>>, vector<512x64xf32>,
    %get3A_40 = arith.constant 0 : index
    %get3A_41 = arith.constant 0 : index
    %get3A_42 = vector.load %arg8[%get3A_40, %get3A_41] : memref<512x64xf32, #tpu.memory_space<vmem>>, vector<512x64xf32>
    %dot_general3A_43 = arith.constant dense<0.000000e+00> : vector<512x512xf32>
    %dot_general3A_44 = tpu.matmul %add3A_23, %get3A_42, %dot_general3A_43 {dimension_numbers = #tpu.dot_dimension_numbers<[1], [1], [0], [0], [0, 0, 1, 0], [], []>, transpose_lhs_hint = false} : vector<512x64xf32>, vector<512x64xf32>, vector<512x512xf32> -> vector<512x512xf32>
    %mul3A = arith.mulf %add3A_23, %add3A_23 : vector<512x64xf32>
    %reduce_sum3A = arith.constant dense<0.000000e+00> : vector<512xf32>
    %reduce_sum3A_45 = vector.multi_reduction <add>, %mul3A, %reduce_sum3A [1] : vector<512x64xf32> to vector<512xf32>
    %broadcast_in_dim3A = vector.shape_cast %reduce_sum3A_45 : vector<512xf32> to vector<512x1xf32>
    %mul3A_46 = arith.constant 2.000000e+00 : f32
    %mul3A_47 = vector.broadcast %mul3A_46 : f32 to vector<512x512xf32>
    %mul3A_48 = arith.mulf %mul3A_47, %dot_general3A_44 : vector<512x512xf32>
    %sub3A = vector.broadcast %broadcast_in_dim3A : vector<512x1xf32> to vector<512x512xf32>
    %sub3A_49 = arith.subf %sub3A, %mul3A_48 : vector<512x512xf32>
    %mul3A_50 = arith.mulf %get3A_42, %get3A_42 : vector<512x64xf32>
    %reduce_sum3A_51 = arith.constant dense<0.000000e+00> : vector<512xf32>
    %reduce_sum3A_52 = vector.multi_reduction <add>, %mul3A_50, %reduce_sum3A_51 [1] : vector<512x64xf32> to vector<512xf32>
    %broadcast_in_dim3A_53 = vector.shape_cast %reduce_sum3A_52 : vector<512xf32> to vector<1x512xf32>
    %add3A_54 = vector.broadcast %broadcast_in_dim3A_53 : vector<1x512xf32> to vector<512x512xf32>
    %add3A_55 = arith.addf %sub3A_49, %add3A_54 : vector<512x512xf32>
    %reduce_min3A = arith.constant dense<0x7F800000> : vector<512xf32>
    %reduce_min3A_56 = vector.multi_reduction <minimumf>, %add3A_55, %reduce_min3A [1] : vector<512x512xf32> to vector<512xf32>
    %broadcast_in_dim3A_57 = vector.shape_cast %reduce_min3A_56 : vector<512xf32> to vector<512x1xf32>
    %iota3A = tpu.iota {dimensions = array<i32: 1>} : vector<512x512xi32>
    %le3A = vector.broadcast %broadcast_in_dim3A_57 : vector<512x1xf32> to vector<512x512xf32>
    %le3A_58 = arith.cmpf ole, %add3A_55, %le3A : vector<512x512xf32>
    %jit3A = arith.constant 512 : i32
    %broadcast_in_dim3A_59 = vector.broadcast %jit3A : i32 to vector<512x512xi32>
    %select_n3A = arith.select %le3A_58, %iota3A, %broadcast_in_dim3A_59 : vector<512x512xi1>, vector<512x512xi32>
    %reduce_min3A_60 = arith.constant dense<2147483647> : vector<512xi32>
    %reduce_min3A_61 = vector.multi_reduction <minsi>, %select_n3A, %reduce_min3A_60 [1] : vector<512x512xi32> to vector<512xi32>
    %broadcast_in_dim3A_62 = vector.shape_cast %reduce_min3A_61 : vector<512xi32> to vector<512x1xi32>
    %eq3A = vector.broadcast %broadcast_in_dim3A_62 : vector<512x1xi32> to vector<512x512xi32>
    %eq3A_63 = arith.cmpi eq, %iota3A, %eq3A : vector<512x512xi32>
    %convert_element_type3A = arith.extui %eq3A_63 : vector<512x512xi1> to vector<512x512xi32>
    %convert_element_type3A_64 = arith.sitofp %convert_element_type3A : vector<512x512xi32> to vector<512x512xf32>
    %swap3A_65 = arith.constant 0 : index
    %swap3A_66 = arith.constant 0 : index
    %swap3A_67 = vector.load %arg13[%swap3A_65, %swap3A_66] : memref<512x512xf32, #tpu.memory_space<vmem>>, vector<512x512xf32>
    tpu.vector_store %arg13[%swap3A_65, %swap3A_66], %convert_element_type3A_64 {strides = array<i32>} : memref<512x512xf32, #tpu.memory_space<vmem>>, vector<512x512xf32>,
    %broadcast_in_dim3A_68 = vector.shape_cast %reduce_min3A_61 : vector<512xi32> to vector<1x1x512xi32>
    %swap3A_69 = arith.constant 0 : index
    %swap3A_70 = arith.constant 0 : index
    %swap3A_71 = arith.constant 0 : index
    %swap3A_72 = vector.load %arg14[%swap3A_69, %swap3A_70, %swap3A_71] : memref<1x1x512xi32, #tpu.memory_space<vmem>>, vector<1x1x512xi32>
    tpu.vector_store %arg14[%swap3A_69, %swap3A_70, %swap3A_71], %broadcast_in_dim3A_68 {strides = array<i32>} : memref<1x1x512xi32, #tpu.memory_space<vmem>>, vector<1x1x512xi32>,
    %get3A_73 = arith.constant 0 : index
    %get3A_74 = arith.constant 0 : index
    %get3A_75 = vector.load %arg9[%get3A_73, %get3A_74] : memref<512x512xf32, #tpu.memory_space<vmem>>, vector<512x512xf32>
    %dot_general3A_76 = arith.constant dense<0.000000e+00> : vector<512x512xf32>
    %dot_general3A_77 = tpu.matmul %get3A_75, %convert_element_type3A_64, %dot_general3A_76 {dimension_numbers = #tpu.dot_dimension_numbers<[1], [1], [0], [0], [0, 0, 1, 0], [], []>, transpose_lhs_hint = false} : vector<512x512xf32>, vector<512x512xf32>, vector<512x512xf32> -> vector<512x512xf32>
    %swap3A_78 = arith.constant 0 : index
    %swap3A_79 = arith.constant 0 : index
    %swap3A_80 = vector.load %arg15[%swap3A_78, %swap3A_79] : memref<512x512xf32, #tpu.memory_space<vmem>>, vector<512x512xf32>
    tpu.vector_store %arg15[%swap3A_78, %swap3A_79], %dot_general3A_77 {strides = array<i32>} : memref<512x512xf32, #tpu.memory_space<vmem>>, vector<512x512xf32>,
    %eq3A_81 = arith.constant 0 : i32
    %eq3A_82 = arith.cmpi eq, %arg0, %eq3A_81 : i32
    %convert_element_type3A_83 = arith.extui %eq3A_82 : i1 to i32
    %cond3A = arith.constant 0 : i32
    %cond3A_84 = arith.cmpi ne, %convert_element_type3A_83, %cond3A : i32
    scf.if %cond3A_84 {
      %broadcast_in_dim3A_100 = arith.constant 0.000000e+00 : f32
      %broadcast_in_dim3A_101 = vector.broadcast %broadcast_in_dim3A_100 : f32 to vector<1x512xf32>
      %swap3A_102 = arith.constant 0 : index
      %swap3A_103 = arith.constant 0 : index
      %swap3A_104 = vector.load %arg17[%swap3A_102, %swap3A_103] : memref<1x512xf32, #tpu.memory_space<vmem>>, vector<1x512xf32>
      tpu.vector_store %arg17[%swap3A_102, %swap3A_103], %broadcast_in_dim3A_101 {strides = array<i32>} : memref<1x512xf32, #tpu.memory_space<vmem>>, vector<1x512xf32>,
    } else {
    }
    %get3A_85 = arith.constant 0 : index
    %get3A_86 = arith.constant 0 : index
    %get3A_87 = vector.load %arg17[%get3A_85, %get3A_86] : memref<1x512xf32, #tpu.memory_space<vmem>>, vector<1x512xf32>
    %reduce_sum3A_88 = arith.constant dense<0.000000e+00> : vector<512xf32>
    %reduce_sum3A_89 = vector.multi_reduction <add>, %convert_element_type3A_64, %reduce_sum3A_88 [0] : vector<512x512xf32> to vector<512xf32>
    %broadcast_in_dim3A_90 = vector.shape_cast %reduce_sum3A_89 : vector<512xf32> to vector<1x512xf32>
    %add3A_91 = arith.addf %get3A_87, %broadcast_in_dim3A_90 : vector<1x512xf32>
    %swap3A_92 = arith.constant 0 : index
    %swap3A_93 = arith.constant 0 : index
    %swap3A_94 = vector.load %arg17[%swap3A_92, %swap3A_93] : memref<1x512xf32, #tpu.memory_space<vmem>>, vector<1x512xf32>
    tpu.vector_store %arg17[%swap3A_92, %swap3A_93], %add3A_91 {strides = array<i32>} : memref<1x512xf32, #tpu.memory_space<vmem>>, vector<1x512xf32>,
    %eq3A_95 = arith.constant 7 : i32
    %eq3A_96 = arith.cmpi eq, %arg0, %eq3A_95 : i32
    %convert_element_type3A_97 = arith.extui %eq3A_96 : i1 to i32
    %cond3A_98 = arith.constant 0 : i32
    %cond3A_99 = arith.cmpi ne, %convert_element_type3A_97, %cond3A_98 : i32
    scf.if %cond3A_99 {
      %get3A_100 = arith.constant 0 : index
      %get3A_101 = arith.constant 0 : index
      %get3A_102 = vector.load %arg9[%get3A_100, %get3A_101] : memref<512x512xf32, #tpu.memory_space<vmem>>, vector<512x512xf32>
      %get3A_103 = arith.constant 0 : index
      %get3A_104 = arith.constant 0 : index
      %get3A_105 = vector.load %arg17[%get3A_103, %get3A_104] : memref<1x512xf32, #tpu.memory_space<vmem>>, vector<1x512xf32>
      %mul3A_106 = vector.broadcast %get3A_105 : vector<1x512xf32> to vector<512x512xf32>
      %mul3A_107 = arith.mulf %get3A_102, %mul3A_106 : vector<512x512xf32>
      %reduce_sum3A_108 = arith.constant dense<0.000000e+00> : vector<512xf32>
      %reduce_sum3A_109 = vector.multi_reduction <add>, %mul3A_107, %reduce_sum3A_108 [1] : vector<512x512xf32> to vector<512xf32>
      %broadcast_in_dim3A_110 = vector.shape_cast %reduce_sum3A_109 : vector<512xf32> to vector<512x1xf32>
      %rsqrt3A = math.rsqrt %broadcast_in_dim3A_110 : vector<512x1xf32>
      %swap3A_111 = arith.constant 0 : index
      %swap3A_112 = arith.constant 0 : index
      %swap3A_113 = vector.load %arg16[%swap3A_111, %swap3A_112] : memref<512x1xf32, #tpu.memory_space<vmem>>, vector<512x1xf32>
      tpu.vector_store %arg16[%swap3A_111, %swap3A_112], %rsqrt3A {strides = array<i32>} : memref<512x1xf32, #tpu.memory_space<vmem>>, vector<512x1xf32>,
    } else {
    }
    return
  }
  func.func @transform_0(%arg0: i32) -> (i32, i32) {
    %c0_i32 = arith.constant 0 : i32
    %c0_i32_0 = arith.constant 0 : i32
    return %arg0, %c0_i32 : i32, i32
  }
  func.func @transform_1(%arg0: i32) -> (i32, i32) {
    %c0_i32 = arith.constant 0 : i32
    %c0_i32_0 = arith.constant 0 : i32
    %c0_i32_1 = arith.constant 0 : i32
    return %c0_i32, %c0_i32_0 : i32, i32
  }
  func.func @transform_2(%arg0: i32) -> (i32, i32) {
    %c0_i32 = arith.constant 0 : i32
    %c0_i32_0 = arith.constant 0 : i32
    %c0_i32_1 = arith.constant 0 : i32
    return %c0_i32, %c0_i32_0 : i32, i32
  }
  func.func @transform_3(%arg0: i32) -> (i32, i32) {
    %c0_i32 = arith.constant 0 : i32
    %c0_i32_0 = arith.constant 0 : i32
    %c0_i32_1 = arith.constant 0 : i32
    return %c0_i32, %c0_i32_0 : i32, i32
  }
  func.func @transform_4(%arg0: i32) -> (i32, i32) {
    %c0_i32 = arith.constant 0 : i32
    %c0_i32_0 = arith.constant 0 : i32
    %c0_i32_1 = arith.constant 0 : i32
    return %c0_i32, %c0_i32_0 : i32, i32
  }
  func.func @transform_5(%arg0: i32) -> (i32, i32) {
    %c0_i32 = arith.constant 0 : i32
    %c0_i32_0 = arith.constant 0 : i32
    %c0_i32_1 = arith.constant 0 : i32
    return %c0_i32, %c0_i32_0 : i32, i32
  }
  func.func @transform_6(%arg0: i32) -> (i32, i32) {
    %c0_i32 = arith.constant 0 : i32
    %c0_i32_0 = arith.constant 0 : i32
    %c0_i32_1 = arith.constant 0 : i32
    return %c0_i32, %c0_i32_0 : i32, i32
  }
  func.func @transform_7(%arg0: i32) -> (i32, i32) {
    %c0_i32 = arith.constant 0 : i32
    %c0_i32_0 = arith.constant 0 : i32
    %c0_i32_1 = arith.constant 0 : i32
    return %c0_i32, %c0_i32_0 : i32, i32
  }
  func.func @transform_8(%arg0: i32) -> (i32, i32) {
    %c0_i32 = arith.constant 0 : i32
    %c0_i32_0 = arith.constant 0 : i32
    %c0_i32_1 = arith.constant 0 : i32
    return %c0_i32, %c0_i32_0 : i32, i32
  }
  func.func @transform_9(%arg0: i32) -> (i32, i32) {
    %c0_i32 = arith.constant 0 : i32
    %c0_i32_0 = arith.constant 0 : i32
    return %arg0, %c0_i32 : i32, i32
  }
  func.func @transform_10(%arg0: i32) -> (i32, i32) {
    %c0_i32 = arith.constant 0 : i32
    %c0_i32_0 = arith.constant 0 : i32
    return %arg0, %c0_i32 : i32, i32
  }
  func.func @transform_11(%arg0: i32) -> (i32, i32) {
    %c0_i32 = arith.constant 0 : i32
    %c0_i32_0 = arith.constant 0 : i32
    return %arg0, %c0_i32 : i32, i32
  }
  func.func @transform_12(%arg0: i32) -> (i32, i32) {
    %c0_i32 = arith.constant 0 : i32
    %c0_i32_0 = arith.constant 0 : i32
    return %arg0, %c0_i32 : i32, i32
  }
  func.func @transform_13(%arg0: i32) -> (i32, i32, i32) {
    %c0_i32 = arith.constant 0 : i32
    %c0_i32_0 = arith.constant 0 : i32
    %c0_i32_1 = arith.constant 0 : i32
    return %arg0, %c0_i32, %c0_i32_0 : i32, i32, i32
  }
  func.func @transform_14(%arg0: i32) -> (i32, i32) {
    %c0_i32 = arith.constant 0 : i32
    %c0_i32_0 = arith.constant 0 : i32
    return %c0_i32, %arg0 : i32, i32
  }
  func.func @transform_15(%arg0: i32) -> (i32, i32) {
    %c0_i32 = arith.constant 0 : i32
    %c0_i32_0 = arith.constant 0 : i32
    %c0_i32_1 = arith.constant 0 : i32
    return %c0_i32, %c0_i32_0 : i32, i32
  }
}

module attributes {stable_mosaic.version = 14 : i64} {
  func.func @_stage_b(%arg0: i32, %arg1: memref<1x1x512xi32, #tpu.memory_space<vmem>>, %arg2: memref<512x64xf32, #tpu.memory_space<vmem>>, %arg3: memref<512x1xf32, #tpu.memory_space<vmem>>, %arg4: memref<512x512xf32, #tpu.memory_space<vmem>>, %arg5: memref<64x64xf32, #tpu.memory_space<vmem>>, %arg6: memref<512x1xf32, #tpu.memory_space<vmem>>, %arg7: memref<512x64xf32, #tpu.memory_space<vmem>>, %arg8: memref<512x64xf32, #tpu.memory_space<vmem>>) attributes {dimension_semantics = [#tpu.dimension_semantics<arbitrary>], iteration_bounds = array<i64: 8>, scalar_prefetch = 0 : i64, scratch_operands = 1 : i64, tpu.core_type = #tpu.core_type<tc>, window_params = [{transform_indices = @transform_0, window_bounds = array<i64: 1, 1, 512>}, {transform_indices = @transform_1, window_bounds = array<i64: 512, 64>}, {pipeline_mode = #tpu.pipeline_mode<synchronous>, transform_indices = @transform_2, window_bounds = array<i64: 512, 1>}, {pipeline_mode = #tpu.pipeline_mode<synchronous>, transform_indices = @transform_3, window_bounds = array<i64: 512, 512>}, {pipeline_mode = #tpu.pipeline_mode<synchronous>, transform_indices = @transform_4, window_bounds = array<i64: 64, 64>}, {transform_indices = @transform_5, window_bounds = array<i64: 512, 1>}, {pipeline_mode = #tpu.pipeline_mode<synchronous>, transform_indices = @transform_6, window_bounds = array<i64: 512, 64>}]} {
    %get3A = arith.constant 0 : index
    %get3A_0 = arith.constant 0 : index
    %get3A_1 = arith.constant 0 : index
    %get3A_2 = vector.load %arg1[%get3A, %get3A_0, %get3A_1] : memref<1x1x512xi32, #tpu.memory_space<vmem>>, vector<1x1x512xi32>
    %get3A_3 = vector.shape_cast %get3A_2 : vector<1x1x512xi32> to vector<512xi32>
    %iota3A = tpu.iota {dimensions = array<i32: 1>} : vector<512x512xi32>
    %broadcast_in_dim3A = vector.shape_cast %get3A_3 : vector<512xi32> to vector<512x1xi32>
    %eq3A = vector.broadcast %broadcast_in_dim3A : vector<512x1xi32> to vector<512x512xi32>
    %eq3A_4 = arith.cmpi eq, %iota3A, %eq3A : vector<512x512xi32>
    %convert_element_type3A = arith.extui %eq3A_4 : vector<512x512xi1> to vector<512x512xi32>
    %convert_element_type3A_5 = arith.sitofp %convert_element_type3A : vector<512x512xi32> to vector<512x512xf32>
    %get3A_6 = arith.constant 0 : index
    %get3A_7 = arith.constant 0 : index
    %get3A_8 = vector.load %arg3[%get3A_6, %get3A_7] : memref<512x1xf32, #tpu.memory_space<vmem>>, vector<512x1xf32>
    %dot_general3A = arith.constant dense<0.000000e+00> : vector<512x1xf32>
    %dot_general3A_9 = tpu.matmul %convert_element_type3A_5, %get3A_8, %dot_general3A {dimension_numbers = #tpu.dot_dimension_numbers<[1], [0], [0], [1], [0, 0, 1, 1], [], []>, transpose_lhs_hint = false} : vector<512x512xf32>, vector<512x1xf32>, vector<512x1xf32> -> vector<512x1xf32>
    %swap3A = arith.constant 0 : index
    %swap3A_10 = arith.constant 0 : index
    %swap3A_11 = vector.load %arg6[%swap3A, %swap3A_10] : memref<512x1xf32, #tpu.memory_space<vmem>>, vector<512x1xf32>
    tpu.vector_store %arg6[%swap3A, %swap3A_10], %dot_general3A_9 {strides = array<i32>} : memref<512x1xf32, #tpu.memory_space<vmem>>, vector<512x1xf32>,
    %get3A_12 = arith.constant 0 : index
    %get3A_13 = arith.constant 0 : index
    %get3A_14 = vector.load %arg2[%get3A_12, %get3A_13] : memref<512x64xf32, #tpu.memory_space<vmem>>, vector<512x64xf32>
    %mul3A = vector.broadcast %dot_general3A_9 : vector<512x1xf32> to vector<512x64xf32>
    %mul3A_15 = arith.mulf %mul3A, %get3A_14 : vector<512x64xf32>
    %eq3A_16 = arith.constant 0 : i32
    %eq3A_17 = arith.cmpi eq, %arg0, %eq3A_16 : i32
    %convert_element_type3A_18 = arith.extui %eq3A_17 : i1 to i32
    %cond3A = arith.constant 0 : i32
    %cond3A_19 = arith.cmpi ne, %convert_element_type3A_18, %cond3A : i32
    scf.if %cond3A_19 {
      %broadcast_in_dim3A_33 = arith.constant 0.000000e+00 : f32
      %broadcast_in_dim3A_34 = vector.broadcast %broadcast_in_dim3A_33 : f32 to vector<512x64xf32>
      %swap3A_35 = arith.constant 0 : index
      %swap3A_36 = arith.constant 0 : index
      %swap3A_37 = vector.load %arg8[%swap3A_35, %swap3A_36] : memref<512x64xf32, #tpu.memory_space<vmem>>, vector<512x64xf32>
      tpu.vector_store %arg8[%swap3A_35, %swap3A_36], %broadcast_in_dim3A_34 {strides = array<i32>} : memref<512x64xf32, #tpu.memory_space<vmem>>, vector<512x64xf32>,
    } else {
    }
    %get3A_20 = arith.constant 0 : index
    %get3A_21 = arith.constant 0 : index
    %get3A_22 = vector.load %arg8[%get3A_20, %get3A_21] : memref<512x64xf32, #tpu.memory_space<vmem>>, vector<512x64xf32>
    %dot_general3A_23 = arith.constant dense<0.000000e+00> : vector<512x64xf32>
    %dot_general3A_24 = tpu.matmul %convert_element_type3A_5, %mul3A_15, %dot_general3A_23 {dimension_numbers = #tpu.dot_dimension_numbers<[0], [0], [1], [1], [0, 1, 1, 1], [], []>, transpose_lhs_hint = false} : vector<512x512xf32>, vector<512x64xf32>, vector<512x64xf32> -> vector<512x64xf32>
    %add3A = arith.addf %get3A_22, %dot_general3A_24 : vector<512x64xf32>
    %swap3A_25 = arith.constant 0 : index
    %swap3A_26 = arith.constant 0 : index
    %swap3A_27 = vector.load %arg8[%swap3A_25, %swap3A_26] : memref<512x64xf32, #tpu.memory_space<vmem>>, vector<512x64xf32>
    tpu.vector_store %arg8[%swap3A_25, %swap3A_26], %add3A {strides = array<i32>} : memref<512x64xf32, #tpu.memory_space<vmem>>, vector<512x64xf32>,
    %eq3A_28 = arith.constant 7 : i32
    %eq3A_29 = arith.cmpi eq, %arg0, %eq3A_28 : i32
    %convert_element_type3A_30 = arith.extui %eq3A_29 : i1 to i32
    %cond3A_31 = arith.constant 0 : i32
    %cond3A_32 = arith.cmpi ne, %convert_element_type3A_30, %cond3A_31 : i32
    scf.if %cond3A_32 {
      %get3A_33 = arith.constant 0 : index
      %get3A_34 = arith.constant 0 : index
      %get3A_35 = vector.load %arg4[%get3A_33, %get3A_34] : memref<512x512xf32, #tpu.memory_space<vmem>>, vector<512x512xf32>
      %get3A_36 = arith.constant 0 : index
      %get3A_37 = arith.constant 0 : index
      %get3A_38 = vector.load %arg8[%get3A_36, %get3A_37] : memref<512x64xf32, #tpu.memory_space<vmem>>, vector<512x64xf32>
      %dot_general3A_39 = arith.constant dense<0.000000e+00> : vector<512x64xf32>
      %dot_general3A_40 = tpu.matmul %get3A_35, %get3A_38, %dot_general3A_39 {dimension_numbers = #tpu.dot_dimension_numbers<[1], [0], [0], [1], [0, 0, 1, 1], [], []>, transpose_lhs_hint = false} : vector<512x512xf32>, vector<512x64xf32>, vector<512x64xf32> -> vector<512x64xf32>
      %get3A_41 = arith.constant 0 : index
      %get3A_42 = arith.constant 0 : index
      %get3A_43 = vector.load %arg5[%get3A_41, %get3A_42] : memref<64x64xf32, #tpu.memory_space<vmem>>, vector<64x64xf32>
      %dot_general3A_44 = arith.constant dense<0.000000e+00> : vector<512x64xf32>
      %dot_general3A_45 = tpu.matmul %dot_general3A_40, %get3A_43, %dot_general3A_44 {dimension_numbers = #tpu.dot_dimension_numbers<[1], [0], [0], [1], [0, 0, 1, 1], [], []>, transpose_lhs_hint = false} : vector<512x64xf32>, vector<64x64xf32>, vector<512x64xf32> -> vector<512x64xf32>
      %swap3A_46 = arith.constant 0 : index
      %swap3A_47 = arith.constant 0 : index
      %swap3A_48 = vector.load %arg7[%swap3A_46, %swap3A_47] : memref<512x64xf32, #tpu.memory_space<vmem>>, vector<512x64xf32>
      tpu.vector_store %arg7[%swap3A_46, %swap3A_47], %dot_general3A_45 {strides = array<i32>} : memref<512x64xf32, #tpu.memory_space<vmem>>, vector<512x64xf32>,
    } else {
    }
    return
  }
  func.func @transform_0(%arg0: i32) -> (i32, i32, i32) {
    %c0_i32 = arith.constant 0 : i32
    %c0_i32_0 = arith.constant 0 : i32
    %c0_i32_1 = arith.constant 0 : i32
    return %arg0, %c0_i32, %c0_i32_0 : i32, i32, i32
  }
  func.func @transform_1(%arg0: i32) -> (i32, i32) {
    %c0_i32 = arith.constant 0 : i32
    %c0_i32_0 = arith.constant 0 : i32
    return %arg0, %c0_i32 : i32, i32
  }
  func.func @transform_2(%arg0: i32) -> (i32, i32) {
    %c0_i32 = arith.constant 0 : i32
    %c0_i32_0 = arith.constant 0 : i32
    %c0_i32_1 = arith.constant 0 : i32
    return %c0_i32, %c0_i32_0 : i32, i32
  }
  func.func @transform_3(%arg0: i32) -> (i32, i32) {
    %c0_i32 = arith.constant 0 : i32
    %c0_i32_0 = arith.constant 0 : i32
    %c0_i32_1 = arith.constant 0 : i32
    return %c0_i32, %c0_i32_0 : i32, i32
  }
  func.func @transform_4(%arg0: i32) -> (i32, i32) {
    %c0_i32 = arith.constant 0 : i32
    %c0_i32_0 = arith.constant 0 : i32
    %c0_i32_1 = arith.constant 0 : i32
    return %c0_i32, %c0_i32_0 : i32, i32
  }
  func.func @transform_5(%arg0: i32) -> (i32, i32) {
    %c0_i32 = arith.constant 0 : i32
    %c0_i32_0 = arith.constant 0 : i32
    return %arg0, %c0_i32 : i32, i32
  }
  func.func @transform_6(%arg0: i32) -> (i32, i32) {
    %c0_i32 = arith.constant 0 : i32
    %c0_i32_0 = arith.constant 0 : i32
    %c0_i32_1 = arith.constant 0 : i32
    return %c0_i32, %c0_i32_0 : i32, i32
  }
}

module attributes {stable_mosaic.version = 14 : i64} {
  func.func @_stage_s(%arg0: memref<512x64xf32, #tpu.memory_space<vmem>>, %arg1: memref<512x512xf32, #tpu.memory_space<vmem>>) attributes {dimension_semantics = [], scalar_prefetch = 0 : i64, scratch_operands = 0 : i64, tpu.core_type = #tpu.core_type<tc>} {
    %get3A = arith.constant 0 : index
    %get3A_0 = arith.constant 0 : index
    %get3A_1 = vector.load %arg0[%get3A, %get3A_0] : memref<512x64xf32, #tpu.memory_space<vmem>>, vector<512x64xf32>
    %sub3A = arith.constant 1.000000e+00 : f32
    %sub3A_2 = vector.broadcast %sub3A : f32 to vector<512x64xf32>
    %sub3A_3 = arith.subf %get3A_1, %sub3A_2 : vector<512x64xf32>
    %dot_general3A = arith.constant dense<0.000000e+00> : vector<512x512xf32>
    %dot_general3A_4 = tpu.matmul %get3A_1, %get3A_1, %dot_general3A {dimension_numbers = #tpu.dot_dimension_numbers<[1], [1], [0], [0], [0, 0, 1, 0], [], []>, transpose_lhs_hint = false} : vector<512x64xf32>, vector<512x64xf32>, vector<512x512xf32> -> vector<512x512xf32>
    %dot_general3A_5 = arith.constant dense<0.000000e+00> : vector<512x512xf32>
    %dot_general3A_6 = tpu.matmul %sub3A_3, %sub3A_3, %dot_general3A_5 {dimension_numbers = #tpu.dot_dimension_numbers<[1], [1], [0], [0], [0, 0, 1, 0], [], []>, transpose_lhs_hint = false} : vector<512x64xf32>, vector<512x64xf32>, vector<512x512xf32> -> vector<512x512xf32>
    %add3A = arith.addf %dot_general3A_4, %dot_general3A_6 : vector<512x512xf32>
    %div3A = arith.constant 6.400000e+01 : f32
    %div3A_7 = vector.broadcast %div3A : f32 to vector<512x512xf32>
    %div3A_8 = arith.divf %add3A, %div3A_7 : vector<512x512xf32>
    %max3A = arith.constant 9.99999996E-13 : f32
    %max3A_9 = vector.broadcast %max3A : f32 to vector<512x512xf32>
    %max3A_10 = arith.maximumf %div3A_8, %max3A_9 : vector<512x512xf32>
    %log3A = math.log %max3A_10 : vector<512x512xf32>
    %mul3A = arith.constant 1.400000e+00 : f32
    %mul3A_11 = vector.broadcast %mul3A : f32 to vector<512x512xf32>
    %mul3A_12 = arith.mulf %mul3A_11, %log3A : vector<512x512xf32>
    %exp3A = math.exp %mul3A_12 : vector<512x512xf32>
    %swap3A = arith.constant 0 : index
    %swap3A_13 = arith.constant 0 : index
    %swap3A_14 = vector.load %arg1[%swap3A, %swap3A_13] : memref<512x512xf32, #tpu.memory_space<vmem>>, vector<512x512xf32>
    tpu.vector_store %arg1[%swap3A, %swap3A_13], %exp3A {strides = array<i32>} : memref<512x512xf32, #tpu.memory_space<vmem>>, vector<512x512xf32>,
    return
  }
}

module attributes {stable_mosaic.version = 14 : i64} {
  func.func @_stage_c(%arg0: i32, %arg1: memref<1x1x512xi32, #tpu.memory_space<vmem>>, %arg2: memref<512x1xf32, #tpu.memory_space<vmem>>, %arg3: memref<512x64xf32, #tpu.memory_space<vmem>>, %arg4: memref<64x2048xf32, #tpu.memory_space<vmem>>, %arg5: memref<1x2048xf32, #tpu.memory_space<vmem>>, %arg6: memref<512x2048xf32, #tpu.memory_space<vmem>>) attributes {dimension_semantics = [#tpu.dimension_semantics<arbitrary>], iteration_bounds = array<i64: 8>, scalar_prefetch = 0 : i64, scratch_operands = 0 : i64, tpu.core_type = #tpu.core_type<tc>, window_params = [{transform_indices = @transform_0, window_bounds = array<i64: 1, 1, 512>}, {transform_indices = @transform_1, window_bounds = array<i64: 512, 1>}, {pipeline_mode = #tpu.pipeline_mode<synchronous>, transform_indices = @transform_2, window_bounds = array<i64: 512, 64>}, {pipeline_mode = #tpu.pipeline_mode<synchronous>, transform_indices = @transform_3, window_bounds = array<i64: 64, 2048>}, {pipeline_mode = #tpu.pipeline_mode<synchronous>, transform_indices = @transform_4, window_bounds = array<i64: 1, 2048>}, {transform_indices = @transform_5, window_bounds = array<i64: 512, 2048>}]} {
    %get3A = arith.constant 0 : index
    %get3A_0 = arith.constant 0 : index
    %get3A_1 = arith.constant 0 : index
    %get3A_2 = vector.load %arg1[%get3A, %get3A_0, %get3A_1] : memref<1x1x512xi32, #tpu.memory_space<vmem>>, vector<1x1x512xi32>
    %get3A_3 = vector.shape_cast %get3A_2 : vector<1x1x512xi32> to vector<512xi32>
    %iota3A = tpu.iota {dimensions = array<i32: 1>} : vector<512x512xi32>
    %broadcast_in_dim3A = vector.shape_cast %get3A_3 : vector<512xi32> to vector<512x1xi32>
    %eq3A = vector.broadcast %broadcast_in_dim3A : vector<512x1xi32> to vector<512x512xi32>
    %eq3A_4 = arith.cmpi eq, %iota3A, %eq3A : vector<512x512xi32>
    %convert_element_type3A = arith.extui %eq3A_4 : vector<512x512xi1> to vector<512x512xi32>
    %convert_element_type3A_5 = arith.sitofp %convert_element_type3A : vector<512x512xi32> to vector<512x512xf32>
    %get3A_6 = arith.constant 0 : index
    %get3A_7 = arith.constant 0 : index
    %get3A_8 = vector.load %arg3[%get3A_6, %get3A_7] : memref<512x64xf32, #tpu.memory_space<vmem>>, vector<512x64xf32>
    %dot_general3A = arith.constant dense<0.000000e+00> : vector<512x64xf32>
    %dot_general3A_9 = tpu.matmul %convert_element_type3A_5, %get3A_8, %dot_general3A {dimension_numbers = #tpu.dot_dimension_numbers<[1], [0], [0], [1], [0, 0, 1, 1], [], []>, transpose_lhs_hint = false} : vector<512x512xf32>, vector<512x64xf32>, vector<512x64xf32> -> vector<512x64xf32>
    %get3A_10 = arith.constant 0 : index
    %get3A_11 = arith.constant 0 : index
    %get3A_12 = vector.load %arg2[%get3A_10, %get3A_11] : memref<512x1xf32, #tpu.memory_space<vmem>>, vector<512x1xf32>
    %mul3A = vector.broadcast %get3A_12 : vector<512x1xf32> to vector<512x64xf32>
    %mul3A_13 = arith.mulf %mul3A, %dot_general3A_9 : vector<512x64xf32>
    %logistic3A = arith.negf %mul3A_13 : vector<512x64xf32>
    %logistic3A_14 = math.exp %logistic3A : vector<512x64xf32>
    %logistic3A_15 = arith.constant 1.000000e+00 : f32
    %logistic3A_16 = vector.broadcast %logistic3A_15 : f32 to vector<512x64xf32>
    %logistic3A_17 = arith.addf %logistic3A_16, %logistic3A_14 : vector<512x64xf32>
    %logistic3A_18 = arith.divf %logistic3A_16, %logistic3A_17 : vector<512x64xf32>
    %get3A_19 = arith.constant 0 : index
    %get3A_20 = arith.constant 0 : index
    %get3A_21 = vector.load %arg4[%get3A_19, %get3A_20] : memref<64x2048xf32, #tpu.memory_space<vmem>>, vector<64x2048xf32>
    %dot_general3A_22 = arith.constant dense<0.000000e+00> : vector<512x2048xf32>
    %dot_general3A_23 = tpu.matmul %logistic3A_18, %get3A_21, %dot_general3A_22 {dimension_numbers = #tpu.dot_dimension_numbers<[1], [0], [0], [1], [0, 0, 1, 1], [], []>, transpose_lhs_hint = false} : vector<512x64xf32>, vector<64x2048xf32>, vector<512x2048xf32> -> vector<512x2048xf32>
    %get3A_24 = arith.constant 0 : index
    %get3A_25 = arith.constant 0 : index
    %get3A_26 = vector.load %arg5[%get3A_24, %get3A_25] : memref<1x2048xf32, #tpu.memory_space<vmem>>, vector<1x2048xf32>
    %add3A = vector.broadcast %get3A_26 : vector<1x2048xf32> to vector<512x2048xf32>
    %add3A_27 = arith.addf %dot_general3A_23, %add3A : vector<512x2048xf32>
    %swap3A = arith.constant 0 : index
    %swap3A_28 = arith.constant 0 : index
    %swap3A_29 = vector.load %arg6[%swap3A, %swap3A_28] : memref<512x2048xf32, #tpu.memory_space<vmem>>, vector<512x2048xf32>
    tpu.vector_store %arg6[%swap3A, %swap3A_28], %add3A_27 {strides = array<i32>} : memref<512x2048xf32, #tpu.memory_space<vmem>>, vector<512x2048xf32>,
    return
  }
  func.func @transform_0(%arg0: i32) -> (i32, i32, i32) {
    %c0_i32 = arith.constant 0 : i32
    %c0_i32_0 = arith.constant 0 : i32
    %c0_i32_1 = arith.constant 0 : i32
    return %arg0, %c0_i32, %c0_i32_0 : i32, i32, i32
  }
  func.func @transform_1(%arg0: i32) -> (i32, i32) {
    %c0_i32 = arith.constant 0 : i32
    %c0_i32_0 = arith.constant 0 : i32
    return %arg0, %c0_i32 : i32, i32
  }
  func.func @transform_2(%arg0: i32) -> (i32, i32) {
    %c0_i32 = arith.constant 0 : i32
    %c0_i32_0 = arith.constant 0 : i32
    %c0_i32_1 = arith.constant 0 : i32
    return %c0_i32, %c0_i32_0 : i32, i32
  }
  func.func @transform_3(%arg0: i32) -> (i32, i32) {
    %c0_i32 = arith.constant 0 : i32
    %c0_i32_0 = arith.constant 0 : i32
    %c0_i32_1 = arith.constant 0 : i32
    return %c0_i32, %c0_i32_0 : i32, i32
  }
  func.func @transform_4(%arg0: i32) -> (i32, i32) {
    %c0_i32 = arith.constant 0 : i32
    %c0_i32_0 = arith.constant 0 : i32
    %c0_i32_1 = arith.constant 0 : i32
    return %c0_i32, %c0_i32_0 : i32, i32
  }
  func.func @transform_5(%arg0: i32) -> (i32, i32) {
    %c0_i32 = arith.constant 0 : i32
    %c0_i32_0 = arith.constant 0 : i32
    return %arg0, %c0_i32 : i32, i32
  }
}

</mosaic_0001>

<sc_bundles>
// kernel: kernel.7.cloned.1.call-start
scs
__scs_entry_jumppad:
0x0: {  	(pc) =	sbr.rel $0x88, $3  }
0x1: {  	(tag) =	ssettag $0x0;
	lr =	simm.s32 $0x1  }
0x2: {  	[smem:$0x3F96] =	sst lr;
	_ =	strace $0xD0000000  }
0x3: {  	_ = 	snop  }
0x4: {  	_ = 	snop  }
0x5: {  	_ = 	snop  }
0x6: {  	_ = 	snop  }
0x7: {  	_ = 	snop  }
__scs_overlays_trampoline_lowered:
0x8: {  	[smem:$0x3FA5] =	sst s0  }
0x9: {  	[smem:$0x3FA6] =	sst s1  }
0xa: {  	[smem:$0x3FA7] =	sst s2  }
0xb: {  	[smem:$0x3FA8] =	sst s3  }
0xc: {  	[smem:$0x3FA9] =	sst s4  }
0xd: {  	[smem:$0x3FAA] =	sst s5  }
0xe: {  	[smem:$0x3FAB] =	sst s6  }
0xf: {  	[smem:$0x3FAC] =	sst s7  }
0x10: {  	[smem:$0x3FAD] =	sst s8  }
0x11: {  	[smem:$0x3FAE] =	sst s9;
	s0 =	simm.s32 @!p0 $0x0  }
0x12: {  	s1 =	sld [smem:$0x3F94];
	s0 =	simm.s32 @p0 $0x1  }
0x13: {  	[smem:$0x3FAF] =	sst s0;
	s0 =	simm.s32 @!p1 $0x0  }
0x14: {  	s2 =	sld [smem:$0x3F93];
	s0 =	simm.s32 @p1 $0x1  }
0x15: {  	[smem:$0x3FB0] =	sst s0;
	s0 =	simm.s32 @!p2 $0x0  }
0x16: {  	s3 =	sld [smem:$0x3FDB];
	s0 =	simm.s32 @p2 $0x1  }
0x17: {  	s4 =	simm.s32 $0x1BF5;
	[smem:$0x3FB2] =	sst s0  }
0x18: {  	s0 =	sld [smem:$0x3F95];
	_ =	swait.ge [sflag:s4], $0x0  }
0x19: {  	s7 =	sld [smem:$0x3F96]  }
0x1a: {  	s8 =	sadd.s32 $0xFFFFE003, lr  }
0x1b: {  	s9 =	sadd.s32 $0xFFFFFEF7, lr;
	s5 =	simm.s32 $0xFFFFFFFF;
	p2 =	slt.u32 s8, $0xFFFFF086  }
0x1c: {  	p1 =	slt.u32 s9, $0xF7A;
	s5 =	simm.s32 @!p2 $0x0  }
0x1d: {  	s5 =	simm.s32 @p1 $0x1;
	p0 =	seq.s32 s7, s2  }
0x1e: {  	s7 =	smul.u32 @!p0 $0xF7A, s2;
	p2 =	seq.s32 @!p0 s5, $0x0  }
0x1f: {  	s9 =	smul.u32 $0xF7A, s1;
	s8 =	simm.s32 @!p0 $0x1BF5;
	p2 =	por !p2, p0  }
0x20: {  	[sflag:s8] =	ssyncset.s32 @!p0 $0xFFFFF086;
	s6 =	sadd.s32 @!p0 s3, s7;
	s7 =	simm.s32 @!p0 $0x108  }
0x21: {  	s3 =	sadd.s32 s3, s9;
	s6 =	sadd.s32 @!p0 $0x88, s6;
	s7 =	simm.s32 @p2 $0x1082  }
0x22: {  	[simem:s7], [sflag:s8] =	dma.local @!p0 [hbm:s6], $0xF7A  }
0x23: {  	s9 =	sor.u32 $0xD0000000, s2;
	s6 =	simm.s32 $0x108;
	_ =	swait.ge @!p0 [sflag:s8], $0x0  }
0x24: {  	s3 =	sadd.s32 $0x88, s3;
	s6 =	simm.s32 @!p1 $0x1082;
	[sflag:s4] =	ssyncset.s32 $0xFFFFF086  }
0x25: {  	[simem:s6], [sflag:s4] =	dma.local [hbm:s3], $0xF7A  }
0x26: {  	[smem:$0x3F96] =	sst s1;
	(tag) =	ssettag s2;
	_ =	strace s9  }
0x27: {  	s1 =	sld [smem:$0x3FA6]  }
0x28: {  	s2 =	sld [smem:$0x3FA7]  }
0x29: {  	s4 =	sld [smem:$0x3FA9]  }
0x2a: {  	p0 =	seq.s32 s5, $0x0;
	s5 =	sld [smem:$0x3FAA]  }
0x2b: {  	s6 =	sld [smem:$0x3FAB]  }
0x2c: {  	s7 =	sld [smem:$0x3FAC]  }
0x2d: {  	s3 =	simm.s32 $0x108;
	s8 =	sld [smem:$0x3FAD]  }
0x2e: {  	s3 =	simm.s32 @!p0 $0x1082;
	s9 =	sld [smem:$0x3FAE]  }
0x2f: {  	lr =	sadd.s32 s0, s3;
	s0 =	sld [smem:$0x3FA5]  }
0x30: {  	s3 =	sld [smem:$0x3FA8]  }
0x31: {  	[smem:$0x3FB1] =	sst s10  }
0x32: {  	s10 =	sld [smem:$0x3FAF];
	_ =	sdelay $0x3  }
0x33: {  	p0 =	seq.s32 s10, $0x1;
	s10 =	sld [smem:$0x3FB1];
	_ =	sdelay $0x3  }
0x34: {  	[smem:$0x3FB1] =	sst s10  }
0x35: {  	s10 =	sld [smem:$0x3FB0];
	_ =	sdelay $0x3  }
0x36: {  	p1 =	seq.s32 s10, $0x1;
	s10 =	sld [smem:$0x3FB1];
	_ =	sdelay $0x3  }
0x37: {  	[smem:$0x3FB1] =	sst s10  }
0x38: {  	s10 =	sld [smem:$0x3FB2]  }
0x39: {  	_ = 	snop;
	(pc) =	sbr.ind lr, $3  }
0x3a: {  	_ = 	snop  }
0x3b: {  	_ = 	snop  }
0x3c: {  	p2 =	seq.s32 s10, $0x1;
	s10 =	sld [smem:$0x3FB1]  }
0x3d: {  	_ =	shalt  }
0x3e: {  	_ =	shalt  }
0x3f: {  	_ =	shalt  }
0x40: {  	_ =	shalt  }
0x41: {  	_ =	shalt  }
0x42: {  	_ =	shalt  }
0x43: {  	_ =	shalt  }
0x44: {  	_ =	shalt  }
0x45: {  	_ =	shalt  }
0x46: {  	_ =	shalt  }
0x47: {  	_ =	shalt  }
0x48: {  	_ =	shalt  }
0x49: {  	_ =	shalt  }
0x4a: {  	_ =	shalt  }
0x4b: {  	_ =	shalt  }
0x4c: {  	_ =	shalt  }
0x4d: {  	_ =	shalt  }
0x4e: {  	_ =	shalt  }
0x4f: {  	_ =	shalt  }
0x50: {  	_ =	shalt  }
0x51: {  	_ =	shalt  }
0x52: {  	_ =	shalt  }
0x53: {  	_ =	shalt  }
0x54: {  	_ =	shalt  }
0x55: {  	_ =	shalt  }
0x56: {  	_ =	shalt  }
0x57: {  	_ =	shalt  }
0x58: {  	_ =	shalt  }
0x59: {  	_ =	shalt  }
0x5a: {  	_ =	shalt  }
0x5b: {  	_ =	shalt  }
0x5c: {  	_ =	shalt  }
0x5d: {  	_ =	shalt  }
0x5e: {  	_ =	shalt  }
0x5f: {  	_ =	shalt  }
0x60: {  	_ =	shalt  }
0x61: {  	_ =	shalt  }
0x62: {  	_ =	shalt  }
0x63: {  	_ =	shalt  }
0x64: {  	_ =	shalt  }
0x65: {  	_ =	shalt  }
0x66: {  	_ =	shalt  }
0x67: {  	_ =	shalt  }
0x68: {  	_ =	shalt  }
0x69: {  	_ =	shalt  }
0x6a: {  	_ =	shalt  }
0x6b: {  	_ =	shalt  }
0x6c: {  	_ =	shalt  }
0x6d: {  	_ =	shalt  }
0x6e: {  	_ =	shalt  }
0x6f: {  	_ =	shalt  }
0x70: {  	_ =	shalt  }
0x71: {  	_ =	shalt  }
0x72: {  	_ =	shalt  }
0x73: {  	_ =	shalt  }
0x74: {  	_ =	shalt  }
0x75: {  	_ =	shalt  }
0x76: {  	_ =	shalt  }
0x77: {  	_ =	shalt  }
0x78: {  	_ =	shalt  }
0x79: {  	_ =	shalt  }
0x7a: {  	_ =	shalt  }
0x7b: {  	_ =	shalt  }
0x7c: {  	_ =	shalt  }
0x7d: {  	_ =	shalt  }
0x7e: {  	_ =	shalt  }
0x7f: {  	_ =	shalt  }
0x80: {  	_ =	shalt  }
0x81: {  	_ =	shalt  }
0x82: {  	_ =	shalt  }
0x83: {  	_ =	shalt  }
0x84: {  	_ =	shalt  }
0x85: {  	_ =	shalt  }
0x86: {  	_ =	shalt  }
0x87: {  	_ =	shalt  }
.Lfunc_end0:
.L_simem_size_0:
called_computation_lowered:
.L_overlay_start_0:
0x88: {  	s2 =	sld [smem:$0x3FD9]  }
0x89: {  	s3 =	sld [smem:$0x3FFE];
	_ =	sdelay $0x1  }
0x8a: {  	s1 =	srdreg.scid  }
0x8b: {  	s0 =	sand.u32 $0x1, s1  }
0x8c: {  	s14 =	sshll.u32 s0, $0xA;
	s2 =	sadd.s32 s3, s2  }
0x8d: {  	s2 =	sadd.s32 s2, s14  }
0x8e: {  	[smem:$0x3FBD] =	sst s2  }
0x8f: {  	_ = 	snop  }
0x90: {  	s2 =	sld [smem:$0x3FD0];
	_ =	sdelay $0x2  }
0x91: {  	s15 =	simm.s32 $0xA;
	s4 =	simm.s32 $0x10  }
0x92: {  	[smem:s4], [sflag:s15] =	dma.local [hbm:s2], $0x1  }
0x93: {  	_ =	swait.eq [sflag:s15], $0x1  }
0x94: {  	[sflag:s15] =	ssyncset.done $0x0  }
0x95: {  	[sflag:s15] =	ssyncadd.s32 $0xFFFFFFFF  }
0x96: {  	s16 =	sld [smem:$0x14];
	(tm) =	ssettm $0x1  }
0x97: {  	s17 =	sld [smem:$0x3FFB];
	_ =	sdelay $0x3  }
0x98: {  	_ =	strace s17  }
0x99: {  	s3 =	sld [smem:$0x3FFC];
	_ =	sdelay $0x3  }
0x9a: {  	_ =	strace s3  }
0x9b: {  	s3 =	sld [smem:$0x3FFD];
	_ =	sdelay $0x3  }
0x9c: {  	_ =	strace s3  }
0x9d: {  	_ =	strace $0x8FFFFFFF  }
0x9e: {  	s18 =	sld [smem:$0x3FDB];
	_ =	sdelay $0x1  }
0x9f: {  	s19 =	simm.s32 $_scs_section_size  }
0xa0: {  	s5 =	simm.s32 $_size__tile_overlayer_lowered;
	s6 =	simm.s32 $_tile_overlayer_lowered  }
0xa1: {  	s22 =	simm.s32 $0x1BFF;
	s21 =	sshll.u32 s6, $0x1;
	s3 =	sadd.s32 s19, s18  }
0xa2: {  	s7 =	simm.s32 $0x0;
	s20 =	sshll.u32 s5, $0x1;
	s5 =	sadd.s32 s21, s3  }
0xa3: {  	[timem:s7], [sflag:s22] =	dma.local [hbm:s5], s20  }
0xa4: {  	_ =	swait.ge [sflag:s22], s20  }
0xa5: {  	s4 =	ssub.s32 $0x0, s20;
	[sflag:s22] =	ssyncset.done $0x0  }
0xa6: {  	[sflag:s22] =	ssyncadd.s32 s4;
	_ =	sdelay $0x1  }
0xa7: {  	s23 =	simm.s32 $0x1B8B  }
0xa8: {  	_ =	swait.ge [sflag:s23], $0x1  }
0xa9: {  	[sflag:s23] =	ssyncset.done $0x0  }
0xaa: {  	s25 =	simm.s32 $0x1B8E;
	s24 =	sld [smem:$0x3FFE];
	[sflag:s23] =	ssyncadd.s32 $0xFFFFFFFF  }
0xab: {  	s26 =	simm.s32 $execute0_lowered;
	[smem:$0x3FD2] =	sst s25  }
0xac: {  	s5 =	sshll.u32 s26, $0x1;
	_ =	strace $0x80000046;
	[dreg:$0x1] =	wrdreg $0xFFFFFFFF  }
0xad: {  	s28 =	simm.s32 $_size_execute0_lowered;
	s3 =	sadd.s32 s3, s5;
	[dreg:$0x0] =	wrdreg $0x0  }
0xae: {  	s5 =	sshll.u32 s28, $0x1;
	[dreg:$0x2] =	wrdreg s3  }
0xaf: {  	[dreg:$0x3] =	wrdreg s5  }
0xb0: {  	[dreg:$0x4] =	wrdreg $0xC0  }
0xb1: {  	_ =	task [dreg:s7], $0x5FFFF  }
0xb2: {  	[dreg:$0x1] =	wrdreg $0xFFFFFFFF  }
0xb3: {  	[dreg:$0x0] =	wrdreg $0x60  }
0xb4: {  	[dreg:$0x2] =	wrdreg s24  }
0xb5: {  	[dreg:$0x3] =	wrdreg s16  }
0xb6: {  	[dreg:$0x4] =	wrdreg $0x9  }
0xb7: {  	_ =	task.clear_ibuf [dreg:s7], $0x5FFFF;
	_ =	strace $0x90000046  }
0xb8: {  	s29 =	simm.s32 $0x9;
	_ =	strace $0x80000048  }
0xb9: {  	_ =	swait.ge [sflag:s29], $0x1  }
0xba: {  	[sflag:s29] =	ssyncadd.s32 $0xFFFFFFFF  }
0xbb: {  	_ =	strace $0x90000048  }
0xbc: {  	_ =	sfence  }
0xbd: {  	s30 =	sld [smem:$0x0];
	_ =	sdelay $0x2  }
0xbe: {  	s31 =	sshll.u32 s1, $0xD;
	s1 =	sshrl.u32 s1, $0x2  }
0xbf: {  	s3 =	sand.u32 $0x4000, s31;
	s1 =	sadd.s32 s1, s30  }
0xc0: {  	s0 =	sor.u32 s3, s0;
	s1 =	sshll.u32 s1, $0x11  }
0xc1: {  	s0 =	sor.u32 s1, s0  }
0xc2: {  	s0 =	sadd.s32 $0x8F2B, s0  }
0xc3: {  	[sflag:s0] =	ssyncadd.remote.s32 $0x1  }
0xc4: {  	_ =	sfence.sel $0xFFFF  }
0xc5: {  	[dreg:$0x0] =	wrdreg $0xFFFFFFFF;
	(pc) =	sbr.abs _section_cstart, $3  }
0xc6: {  	[dreg:$0x1] =	wrdreg $0xFFFFFFFF  }
0xc7: {  	_ =	task.clear_ibuf [dreg:s7], $0x2FFFF;
	_ =	strace $0x9FFFFFFF  }
0xc8: {  	(tm) =	ssettm $0x7FFFFFFF  }
0xc9: {  	_ =	shalt  }
tec
execute0_lowered:
.L_overlay_start_1:
0x0: {  	(tag) =	ssettag $0x1  }
0x1: {  	s0 =	rddreg [dreg:$0x0]  }
0x2: {  	s1 =	rddreg [dreg:$0x1]  }
0x3: {  	s3 =	srdreg.scid;
	s2 =	simm.s32 $0x0;
	s5 =	stileid.u32  }
0x4: {  	s29 =	simm.s32 $0x1;
	s30 =	simm.s32 $0x4;
	s31 =	simm.s32 $0x2  }
0x5: {  	s28 =	simm.s32 $0x8080;
	s4 =	sand.u32 $0x1, s3;
	[smem:$0x7FF] =	sst s2  }
0x6: {  	s10 =	sshll.u32 s5, $0x8;
	s3 =	sadd.s32 $0x1A00, s0;
	s11 =	sshll.u32 s4, $0x7  }
0x7: {  	s8 =	sadd.s32 $0x1E00, s0;
	s9 =	sadd.s32 $0x1F00, s0;
	s5 =	sor.u32 s11, s10  }
0x8: {  	_ =	strace $0x80000047;
	s6 =	sshrl.u32 s5, $0x3;
	s5 =	sshll.u32 s5, $0x9  }
0x9: {  	s4 =	ssub.s32 $0x2, s4;
	s6 =	sadd.s32 s6, s0;
	s20 =	sadd.s32 s1, s5  }
0xa: {  	s7 =	sshrl.u32 s4, $0x1;
	s6 =	sadd.s32 $0x41A00, s6;
	[dreg:$0x13] =	wrdreg s20  }
0xb: {  	s10 =	sadd.s32 $0x2000, s0;
	s1 =	sadd.s32 $0x1000, s20;
	[dreg:$0x3] =	wrdreg s6  }
0xc: {  	s11 =	sadd.s32 $0x2100, s0;
	s12 =	sadd.s32 $0x2000, s20;
	[dreg:$0x4] =	wrdreg s1  }
0xd: {  	s4 =	ssub.s32 s4, s7;
	s13 =	sadd.s32 $0x3000, s20;
	[dreg:$0x5] =	wrdreg s12  }
0xe: {  	s7 =	sadd.s32 $0x1D00, s0;
	s14 =	sadd.s32 $0x4000, s20;
	[dreg:$0x6] =	wrdreg s13  }
0xf: {  	s5 =	sadd.s32 $0x1B00, s0;
	s15 =	sadd.s32 $0x5000, s20;
	[dreg:$0x7] =	wrdreg s14  }
0x10: {  	s16 =	sadd.s32 $0x6000, s20;
	s17 =	sadd.s32 $0x7000, s20;
	[dreg:$0x8] =	wrdreg s15  }
0x11: {  	s18 =	sadd.s32 $0x8000, s20;
	s19 =	sadd.s32 $0x9000, s20;
	[dreg:$0x9] =	wrdreg s16  }
0x12: {  	s21 =	sadd.s32 $0xA000, s20;
	s22 =	sadd.s32 $0xB000, s20;
	[dreg:$0xa] =	wrdreg s17  }
0x13: {  	s23 =	sadd.s32 $0xC000, s20;
	s24 =	sadd.s32 $0xD000, s20;
	[dreg:$0xb] =	wrdreg s18  }
0x14: {  	s25 =	sadd.s32 $0xE000, s20;
	s26 =	sadd.s32 $0xF000, s20;
	[dreg:$0xc] =	wrdreg s19  }
0x15: {  	s20 =	smax.u32 s4, $0x1;
	s4 =	simm.s32 $0x6;
	[dreg:$0xd] =	wrdreg s21  }
0x16: {  	s6 =	sadd.s32 $0x1C00, s0;
	s12 =	sadd.s32 $0x2200, s0;
	[dreg:$0xe] =	wrdreg s22  }
0x17: {  	s13 =	sadd.s32 $0x2300, s0;
	s14 =	sadd.s32 $0x2400, s0;
	[dreg:$0xf] =	wrdreg s23  }
0x18: {  	s15 =	sadd.s32 $0x2500, s0;
	s16 =	sadd.s32 $0x2600, s0;
	[dreg:$0x10] =	wrdreg s24  }
0x19: {  	v0 =	vlaneseq.u32;
	s17 =	sadd.s32 $0x2700, s0;
	s18 =	sadd.s32 $0x2800, s0;
	[dreg:$0x11] =	wrdreg s25  }
0x1a: {  	v1 =	vshrl.u32 v0, $0x3;
	s19 =	sadd.s32 $0x2900, s0;
	[dreg:$0x12] =	wrdreg s26;
	s23 =	simm.s32 $0x80  }
0x1b: {  	vm0 =	vmmov $0xffff;
	v0 =	vand.u32 $0x7, v0;
	v1 =	vmul.u32 $0x8, v1;
	s0 =	simm.s32 $0x5;
	s1 =	simm.s32 $0x3;
	s22 =	simm.s32 $0x10080  }
.LBB2_1:
0x1c: {  	s21 =	rddreg [dreg:$0x3];
	s25 =	simm.s32 $0x7  }
0x1d: {  	[tilespmem:s2], [sflag:$0x7] =	stream.linear.gather [hbm4b:s21+s2], $0x80, $0x38;
	[tilespmem:$0x18080] =	vst v63  }
0x1e: {  	_ =	swait.ge [sflag:s25], $0x80  }
0x1f: {  	[sflag:s25] =	ssyncset.done $0x0  }
0x20: {  	[sflag:s25] =	ssyncadd.s32 $0xFFFFFF80  }
0x21: {  	v2 =	vld.msk [tilespmem:$0x0], $0xff;
	_ =	sdelay $0x4  }
0x22: {  	v3 =	vshll.u32 v2, $0x5  }
0x23: {  	v2 =	vand.u32 $0x7, v2;
	v3 =	vand.u32 $0xFFFFFF00, v3  }
0x24: {  	v2 =	vor.u32 v2, v3  }
0x25: {  	v2 =	vperm.xlane v2, v0;
	_ =	sdelay $0x1  }
0x26: {  	v2 =	vadd.s32 v1, v2;
	_ =	sdelay $0x4  }
0x27: {  	[tilespmem:s23], [sflag:$0x1] =	stream.indirect_vreg.gather [hbm4b:s3+s2], $0x80, v2, vm0, $0xb8;
	[tilespmem:$0x18080] =	vst v63  }
0x28: {  	s26 =	simm.s32 $0x880  }
0x29: {  	[tilespmem:s26], [sflag:$0x1] =	stream.indirect_vreg.gather [hbm4b:s5+s2], $0x80, v2, vm0, $0xb8;
	[tilespmem:$0x18080] =	vst v63  }
0x2a: {  	s24 =	simm.s32 $0x1080  }
0x2b: {  	[tilespmem:s24], [sflag:$0x1] =	stream.indirect_vreg.gather [hbm4b:s6+s2], $0x80, v2, vm0, $0xb8;
	[tilespmem:$0x18080] =	vst v63  }
0x2c: {  	s25 =	simm.s32 $0x1880  }
0x2d: {  	[tilespmem:s25], [sflag:$0x1] =	stream.indirect_vreg.gather [hbm4b:s7+s2], $0x80, v2, vm0, $0xb8;
	[tilespmem:$0x18080] =	vst v63  }
0x2e: {  	s26 =	simm.s32 $0x2080  }
0x2f: {  	[tilespmem:s26], [sflag:$0x1] =	stream.indirect_vreg.gather [hbm4b:s8+s2], $0x80, v2, vm0, $0xb8;
	[tilespmem:$0x18080] =	vst v63  }
0x30: {  	s24 =	simm.s32 $0x2880  }
0x31: {  	[tilespmem:s24], [sflag:$0x1] =	stream.indirect_vreg.gather [hbm4b:s9+s2], $0x80, v2, vm0, $0xb8;
	[tilespmem:$0x18080] =	vst v63  }
0x32: {  	s24 =	simm.s32 $0x3080  }
0x33: {  	[tilespmem:s24], [sflag:$0x1] =	stream.indirect_vreg.gather [hbm4b:s10+s2], $0x80, v2, vm0, $0xb8;
	[tilespmem:$0x18080] =	vst v63  }
0x34: {  	s24 =	simm.s32 $0x3880  }
0x35: {  	[tilespmem:s24], [sflag:$0x1] =	stream.indirect_vreg.gather [hbm4b:s11+s2], $0x80, v2, vm0, $0xb8;
	[tilespmem:$0x18080] =	vst v63  }
0x36: {  	s24 =	simm.s32 $0x4080  }
0x37: {  	[tilespmem:s24], [sflag:$0x1] =	stream.indirect_vreg.gather [hbm4b:s12+s2], $0x80, v2, vm0, $0xb8;
	[tilespmem:$0x18080] =	vst v63  }
0x38: {  	s24 =	simm.s32 $0x4880  }
0x39: {  	[tilespmem:s24], [sflag:$0x1] =	stream.indirect_vreg.gather [hbm4b:s13+s2], $0x80, v2, vm0, $0xb8;
	[tilespmem:$0x18080] =	vst v63  }
0x3a: {  	s24 =	simm.s32 $0x5080  }
0x3b: {  	[tilespmem:s24], [sflag:$0x1] =	stream.indirect_vreg.gather [hbm4b:s14+s2], $0x80, v2, vm0, $0xb8;
	[tilespmem:$0x18080] =	vst v63  }
0x3c: {  	s24 =	simm.s32 $0x5880  }
0x3d: {  	[tilespmem:s24], [sflag:$0x1] =	stream.indirect_vreg.gather [hbm4b:s15+s2], $0x80, v2, vm0, $0xb8;
	[tilespmem:$0x18080] =	vst v63  }
0x3e: {  	s24 =	simm.s32 $0x6080  }
0x3f: {  	[tilespmem:s24], [sflag:$0x1] =	stream.indirect_vreg.gather [hbm4b:s16+s2], $0x80, v2, vm0, $0xb8;
	[tilespmem:$0x18080] =	vst v63  }
0x40: {  	s24 =	simm.s32 $0x6880  }
0x41: {  	[tilespmem:s24], [sflag:$0x1] =	stream.indirect_vreg.gather [hbm4b:s17+s2], $0x80, v2, vm0, $0xb8;
	[tilespmem:$0x18080] =	vst v63  }
0x42: {  	s24 =	simm.s32 $0x7080  }
0x43: {  	[tilespmem:s24], [sflag:$0x1] =	stream.indirect_vreg.gather [hbm4b:s18+s2], $0x80, v2, vm0, $0xb8;
	[tilespmem:$0x18080] =	vst v63  }
0x44: {  	s24 =	simm.s32 $0x7880  }
0x45: {  	[tilespmem:s24], [sflag:$0x1] =	stream.indirect_vreg.gather [hbm4b:s19+s2], $0x80, v2, vm0, $0xb8;
	[tilespmem:$0x18080] =	vst v63  }
0x46: {  	v2 =	vld.msk [tilespmem:$0x8], $0xff;
	_ =	sdelay $0x4  }
0x47: {  	v3 =	vshll.u32 v2, $0x5  }
0x48: {  	v2 =	vand.u32 $0x7, v2;
	v3 =	vand.u32 $0xFFFFFF00, v3  }
0x49: {  	v2 =	vor.u32 v2, v3  }
0x4a: {  	v2 =	vperm.xlane v2, v0;
	_ =	sdelay $0x1  }
0x4b: {  	v2 =	vadd.s32 v1, v2;
	_ =	sdelay $0x4  }
0x4c: {  	[tilespmem:s28], [sflag:$0x2] =	stream.indirect_vreg.gather [hbm4b:s3+s2], $0x80, v2, vm0, $0xb8;
	[tilespmem:$0x18080] =	vst v63  }
0x4d: {  	s21 =	simm.s32 $0x8880  }
0x4e: {  	[tilespmem:s21], [sflag:$0x2] =	stream.indirect_vreg.gather [hbm4b:s5+s2], $0x80, v2, vm0, $0xb8;
	[tilespmem:$0x18080] =	vst v63  }
0x4f: {  	s21 =	simm.s32 $0x9080  }
0x50: {  	[tilespmem:s21], [sflag:$0x2] =	stream.indirect_vreg.gather [hbm4b:s6+s2], $0x80, v2, vm0, $0xb8;
	[tilespmem:$0x18080] =	vst v63  }
0x51: {  	s21 =	simm.s32 $0x9880  }
0x52: {  	[tilespmem:s21], [sflag:$0x2] =	stream.indirect_vreg.gather [hbm4b:s7+s2], $0x80, v2, vm0, $0xb8;
	[tilespmem:$0x18080] =	vst v63  }
0x53: {  	s21 =	simm.s32 $0xA080  }
0x54: {  	[tilespmem:s21], [sflag:$0x2] =	stream.indirect_vreg.gather [hbm4b:s8+s2], $0x80, v2, vm0, $0xb8;
	[tilespmem:$0x18080] =	vst v63  }
0x55: {  	s21 =	simm.s32 $0xA880  }
0x56: {  	[tilespmem:s21], [sflag:$0x2] =	stream.indirect_vreg.gather [hbm4b:s9+s2], $0x80, v2, vm0, $0xb8;
	[tilespmem:$0x18080] =	vst v63  }
0x57: {  	s21 =	simm.s32 $0xB080  }
0x58: {  	[tilespmem:s21], [sflag:$0x2] =	stream.indirect_vreg.gather [hbm4b:s10+s2], $0x80, v2, vm0, $0xb8;
	[tilespmem:$0x18080] =	vst v63  }
0x59: {  	s21 =	simm.s32 $0xB880  }
0x5a: {  	[tilespmem:s21], [sflag:$0x2] =	stream.indirect_vreg.gather [hbm4b:s11+s2], $0x80, v2, vm0, $0xb8;
	[tilespmem:$0x18080] =	vst v63  }
0x5b: {  	s21 =	simm.s32 $0xC080  }
0x5c: {  	[tilespmem:s21], [sflag:$0x2] =	stream.indirect_vreg.gather [hbm4b:s12+s2], $0x80, v2, vm0, $0xb8;
	[tilespmem:$0x18080] =	vst v63  }
0x5d: {  	s21 =	simm.s32 $0xC880  }
0x5e: {  	[tilespmem:s21], [sflag:$0x2] =	stream.indirect_vreg.gather [hbm4b:s13+s2], $0x80, v2, vm0, $0xb8;
	[tilespmem:$0x18080] =	vst v63  }
0x5f: {  	s21 =	simm.s32 $0xD080  }
0x60: {  	[tilespmem:s21], [sflag:$0x2] =	stream.indirect_vreg.gather [hbm4b:s14+s2], $0x80, v2, vm0, $0xb8;
	[tilespmem:$0x18080] =	vst v63  }
0x61: {  	s21 =	simm.s32 $0xD880  }
0x62: {  	[tilespmem:s21], [sflag:$0x2] =	stream.indirect_vreg.gather [hbm4b:s15+s2], $0x80, v2, vm0, $0xb8;
	[tilespmem:$0x18080] =	vst v63  }
0x63: {  	s21 =	simm.s32 $0xE080  }
0x64: {  	[tilespmem:s21], [sflag:$0x2] =	stream.indirect_vreg.gather [hbm4b:s16+s2], $0x80, v2, vm0, $0xb8;
	[tilespmem:$0x18080] =	vst v63  }
0x65: {  	s21 =	simm.s32 $0xE880  }
0x66: {  	[tilespmem:s21], [sflag:$0x2] =	stream.indirect_vreg.gather [hbm4b:s17+s2], $0x80, v2, vm0, $0xb8;
	[tilespmem:$0x18080] =	vst v63  }
0x67: {  	s21 =	simm.s32 $0xF080  }
0x68: {  	[tilespmem:s21], [sflag:$0x2] =	stream.indirect_vreg.gather [hbm4b:s18+s2], $0x80, v2, vm0, $0xb8;
	[tilespmem:$0x18080] =	vst v63  }
0x69: {  	s21 =	simm.s32 $0xF880  }
0x6a: {  	[tilespmem:s21], [sflag:$0x2] =	stream.indirect_vreg.gather [hbm4b:s19+s2], $0x80, v2, vm0, $0xb8;
	[tilespmem:$0x18080] =	vst v63  }
0x6b: {  	v2 =	vld.msk [tilespmem:$0x10], $0xff;
	_ =	sdelay $0x4  }
0x6c: {  	v3 =	vshll.u32 v2, $0x5  }
0x6d: {  	v2 =	vand.u32 $0x7, v2;
	v3 =	vand.u32 $0xFFFFFF00, v3  }
0x6e: {  	v2 =	vor.u32 v2, v3  }
0x6f: {  	v2 =	vperm.xlane v2, v0;
	_ =	sdelay $0x1  }
0x70: {  	v2 =	vadd.s32 v1, v2;
	_ =	sdelay $0x4  }
0x71: {  	[tilespmem:s22], [sflag:$0x3] =	stream.indirect_vreg.gather [hbm4b:s3+s2], $0x80, v2, vm0, $0xb8;
	[tilespmem:$0x18080] =	vst v63  }
0x72: {  	s21 =	simm.s32 $0x10880  }
0x73: {  	[tilespmem:s21], [sflag:$0x3] =	stream.indirect_vreg.gather [hbm4b:s5+s2], $0x80, v2, vm0, $0xb8;
	[tilespmem:$0x18080] =	vst v63  }
0x74: {  	s21 =	simm.s32 $0x11080  }
0x75: {  	[tilespmem:s21], [sflag:$0x3] =	stream.indirect_vreg.gather [hbm4b:s6+s2], $0x80, v2, vm0, $0xb8;
	[tilespmem:$0x18080] =	vst v63  }
0x76: {  	s21 =	simm.s32 $0x11880  }
0x77: {  	[tilespmem:s21], [sflag:$0x3] =	stream.indirect_vreg.gather [hbm4b:s7+s2], $0x80, v2, vm0, $0xb8;
	[tilespmem:$0x18080] =	vst v63  }
0x78: {  	s21 =	simm.s32 $0x12080  }
0x79: {  	[tilespmem:s21], [sflag:$0x3] =	stream.indirect_vreg.gather [hbm4b:s8+s2], $0x80, v2, vm0, $0xb8;
	[tilespmem:$0x18080] =	vst v63  }
0x7a: {  	s21 =	simm.s32 $0x12880  }
0x7b: {  	[tilespmem:s21], [sflag:$0x3] =	stream.indirect_vreg.gather [hbm4b:s9+s2], $0x80, v2, vm0, $0xb8;
	[tilespmem:$0x18080] =	vst v63  }
0x7c: {  	s21 =	simm.s32 $0x13080  }
0x7d: {  	[tilespmem:s21], [sflag:$0x3] =	stream.indirect_vreg.gather [hbm4b:s10+s2], $0x80, v2, vm0, $0xb8;
	[tilespmem:$0x18080] =	vst v63  }
0x7e: {  	s21 =	simm.s32 $0x13880  }
0x7f: {  	[tilespmem:s21], [sflag:$0x3] =	stream.indirect_vreg.gather [hbm4b:s11+s2], $0x80, v2, vm0, $0xb8;
	[tilespmem:$0x18080] =	vst v63  }
0x80: {  	s21 =	simm.s32 $0x14080  }
0x81: {  	[tilespmem:s21], [sflag:$0x3] =	stream.indirect_vreg.gather [hbm4b:s12+s2], $0x80, v2, vm0, $0xb8;
	[tilespmem:$0x18080] =	vst v63  }
0x82: {  	s21 =	simm.s32 $0x14880  }
0x83: {  	[tilespmem:s21], [sflag:$0x3] =	stream.indirect_vreg.gather [hbm4b:s13+s2], $0x80, v2, vm0, $0xb8;
	[tilespmem:$0x18080] =	vst v63  }
0x84: {  	s21 =	simm.s32 $0x15080  }
0x85: {  	[tilespmem:s21], [sflag:$0x3] =	stream.indirect_vreg.gather [hbm4b:s14+s2], $0x80, v2, vm0, $0xb8;
	[tilespmem:$0x18080] =	vst v63  }
0x86: {  	s21 =	simm.s32 $0x15880  }
0x87: {  	[tilespmem:s21], [sflag:$0x3] =	stream.indirect_vreg.gather [hbm4b:s15+s2], $0x80, v2, vm0, $0xb8;
	[tilespmem:$0x18080] =	vst v63  }
0x88: {  	s21 =	simm.s32 $0x16080  }
0x89: {  	[tilespmem:s21], [sflag:$0x3] =	stream.indirect_vreg.gather [hbm4b:s16+s2], $0x80, v2, vm0, $0xb8;
	[tilespmem:$0x18080] =	vst v63  }
0x8a: {  	s21 =	simm.s32 $0x16880  }
0x8b: {  	[tilespmem:s21], [sflag:$0x3] =	stream.indirect_vreg.gather [hbm4b:s17+s2], $0x80, v2, vm0, $0xb8;
	[tilespmem:$0x18080] =	vst v63  }
0x8c: {  	s21 =	simm.s32 $0x17080  }
0x8d: {  	[tilespmem:s21], [sflag:$0x3] =	stream.indirect_vreg.gather [hbm4b:s18+s2], $0x80, v2, vm0, $0xb8;
	[tilespmem:$0x18080] =	vst v63  }
0x8e: {  	s21 =	simm.s32 $0x17880  }
0x8f: {  	[tilespmem:s21], [sflag:$0x3] =	stream.indirect_vreg.gather [hbm4b:s19+s2], $0x80, v2, vm0, $0xb8;
	[tilespmem:$0x18080] =	vst v63  }
0x90: {  	_ =	swait.ge [sflag:s29], $0x8000  }
0x91: {  	[sflag:s29] =	ssyncset.done $0x0  }
0x92: {  	s21 =	rddreg [dreg:$0x13];
	[sflag:s29] =	ssyncadd.s32 $0xFFFF8000  }
0x93: {  	[hbm4b:s21+s2] =	stream.linear.scatter [tilespmem:s23], [sflag:$0x4], $0x8000, $0x38;
	[tilespmem:$0x18080] =	vst v63  }
0x94: {  	_ =	swait.ge [sflag:s30], $0x8000  }
0x95: {  	[sflag:s30] =	ssyncset.done $0x0  }
0x96: {  	[sflag:s30] =	ssyncadd.s32 $0xFFFF8000  }
0x97: {  	v2 =	vld.msk [tilespmem:$0x18], $0xff;
	_ =	sdelay $0x4  }
0x98: {  	v3 =	vshll.u32 v2, $0x5  }
0x99: {  	v2 =	vand.u32 $0x7, v2;
	v3 =	vand.u32 $0xFFFFFF00, v3  }
0x9a: {  	v2 =	vor.u32 v2, v3  }
0x9b: {  	v2 =	vperm.xlane v2, v0;
	_ =	sdelay $0x1  }
0x9c: {  	v2 =	vadd.s32 v1, v2;
	_ =	sdelay $0x4  }
0x9d: {  	[tilespmem:s23], [sflag:$0x1] =	stream.indirect_vreg.gather [hbm4b:s3+s2], $0x80, v2, vm0, $0xb8;
	[tilespmem:$0x18080] =	vst v63  }
0x9e: {  	s21 =	simm.s32 $0x880  }
0x9f: {  	[tilespmem:s21], [sflag:$0x1] =	stream.indirect_vreg.gather [hbm4b:s5+s2], $0x80, v2, vm0, $0xb8;
	[tilespmem:$0x18080] =	vst v63  }
0xa0: {  	s21 =	simm.s32 $0x1080  }
0xa1: {  	[tilespmem:s21], [sflag:$0x1] =	stream.indirect_vreg.gather [hbm4b:s6+s2], $0x80, v2, vm0, $0xb8;
	[tilespmem:$0x18080] =	vst v63  }
0xa2: {  	s25 =	simm.s32 $0x1880  }
0xa3: {  	[tilespmem:s25], [sflag:$0x1] =	stream.indirect_vreg.gather [hbm4b:s7+s2], $0x80, v2, vm0, $0xb8;
	[tilespmem:$0x18080] =	vst v63  }
0xa4: {  	s26 =	simm.s32 $0x2080  }
0xa5: {  	[tilespmem:s26], [sflag:$0x1] =	stream.indirect_vreg.gather [hbm4b:s8+s2], $0x80, v2, vm0, $0xb8;
	[tilespmem:$0x18080] =	vst v63  }
0xa6: {  	s21 =	simm.s32 $0x2880  }
0xa7: {  	[tilespmem:s21], [sflag:$0x1] =	stream.indirect_vreg.gather [hbm4b:s9+s2], $0x80, v2, vm0, $0xb8;
	[tilespmem:$0x18080] =	vst v63  }
0xa8: {  	s21 =	simm.s32 $0x3080  }
0xa9: {  	[tilespmem:s21], [sflag:$0x1] =	stream.indirect_vreg.gather [hbm4b:s10+s2], $0x80, v2, vm0, $0xb8;
	[tilespmem:$0x18080] =	vst v63  }
0xaa: {  	s21 =	simm.s32 $0x3880  }
0xab: {  	[tilespmem:s21], [sflag:$0x1] =	stream.indirect_vreg.gather [hbm4b:s11+s2], $0x80, v2, vm0, $0xb8;
	[tilespmem:$0x18080] =	vst v63  }
0xac: {  	s21 =	simm.s32 $0x4080  }
0xad: {  	[tilespmem:s21], [sflag:$0x1] =	stream.indirect_vreg.gather [hbm4b:s12+s2], $0x80, v2, vm0, $0xb8;
	[tilespmem:$0x18080] =	vst v63  }
0xae: {  	s21 =	simm.s32 $0x4880  }
0xaf: {  	[tilespmem:s21], [sflag:$0x1] =	stream.indirect_vreg.gather [hbm4b:s13+s2], $0x80, v2, vm0, $0xb8;
	[tilespmem:$0x18080] =	vst v63  }
0xb0: {  	s21 =	simm.s32 $0x5080  }
0xb1: {  	[tilespmem:s21], [sflag:$0x1] =	stream.indirect_vreg.gather [hbm4b:s14+s2], $0x80, v2, vm0, $0xb8;
	[tilespmem:$0x18080] =	vst v63  }
0xb2: {  	s21 =	simm.s32 $0x5880  }
0xb3: {  	[tilespmem:s21], [sflag:$0x1] =	stream.indirect_vreg.gather [hbm4b:s15+s2], $0x80, v2, vm0, $0xb8;
	[tilespmem:$0x18080] =	vst v63  }
0xb4: {  	s21 =	simm.s32 $0x6080  }
0xb5: {  	[tilespmem:s21], [sflag:$0x1] =	stream.indirect_vreg.gather [hbm4b:s16+s2], $0x80, v2, vm0, $0xb8;
	[tilespmem:$0x18080] =	vst v63  }
0xb6: {  	s21 =	simm.s32 $0x6880  }
0xb7: {  	[tilespmem:s21], [sflag:$0x1] =	stream.indirect_vreg.gather [hbm4b:s17+s2], $0x80, v2, vm0, $0xb8;
	[tilespmem:$0x18080] =	vst v63  }
0xb8: {  	s21 =	simm.s32 $0x7080  }
0xb9: {  	[tilespmem:s21], [sflag:$0x1] =	stream.indirect_vreg.gather [hbm4b:s18+s2], $0x80, v2, vm0, $0xb8;
	[tilespmem:$0x18080] =	vst v63  }
0xba: {  	s24 =	simm.s32 $0x7880  }
0xbb: {  	[tilespmem:s24], [sflag:$0x1] =	stream.indirect_vreg.gather [hbm4b:s19+s2], $0x80, v2, vm0, $0xb8;
	[tilespmem:$0x18080] =	vst v63  }
0xbc: {  	_ =	swait.ge [sflag:s31], $0x8000  }
0xbd: {  	[sflag:s31] =	ssyncset.done $0x0  }
0xbe: {  	s21 =	rddreg [dreg:$0x4];
	[sflag:s31] =	ssyncadd.s32 $0xFFFF8000  }
0xbf: {  	[hbm4b:s21+s2] =	stream.linear.scatter [tilespmem:s28], [sflag:$0x5], $0x8000, $0x38;
	[tilespmem:$0x18080] =	vst v63  }
0xc0: {  	_ =	swait.ge [sflag:s0], $0x8000  }
0xc1: {  	[sflag:s0] =	ssyncset.done $0x0  }
0xc2: {  	[sflag:s0] =	ssyncadd.s32 $0xFFFF8000  }
0xc3: {  	v2 =	vld.msk [tilespmem:$0x20], $0xff;
	_ =	sdelay $0x4  }
0xc4: {  	v3 =	vshll.u32 v2, $0x5  }
0xc5: {  	v2 =	vand.u32 $0x7, v2;
	v3 =	vand.u32 $0xFFFFFF00, v3  }
0xc6: {  	v2 =	vor.u32 v2, v3  }
0xc7: {  	v2 =	vperm.xlane v2, v0;
	_ =	sdelay $0x1  }
0xc8: {  	v2 =	vadd.s32 v1, v2;
	_ =	sdelay $0x4  }
0xc9: {  	[tilespmem:s28], [sflag:$0x2] =	stream.indirect_vreg.gather [hbm4b:s3+s2], $0x80, v2, vm0, $0xb8;
	[tilespmem:$0x18080] =	vst v63  }
0xca: {  	s21 =	simm.s32 $0x8880  }
0xcb: {  	[tilespmem:s21], [sflag:$0x2] =	stream.indirect_vreg.gather [hbm4b:s5+s2], $0x80, v2, vm0, $0xb8;
	[tilespmem:$0x18080] =	vst v63  }
0xcc: {  	s21 =	simm.s32 $0x9080  }
0xcd: {  	[tilespmem:s21], [sflag:$0x2] =	stream.indirect_vreg.gather [hbm4b:s6+s2], $0x80, v2, vm0, $0xb8;
	[tilespmem:$0x18080] =	vst v63  }
0xce: {  	s21 =	simm.s32 $0x9880  }
0xcf: {  	[tilespmem:s21], [sflag:$0x2] =	stream.indirect_vreg.gather [hbm4b:s7+s2], $0x80, v2, vm0, $0xb8;
	[tilespmem:$0x18080] =	vst v63  }
0xd0: {  	s21 =	simm.s32 $0xA080  }
0xd1: {  	[tilespmem:s21], [sflag:$0x2] =	stream.indirect_vreg.gather [hbm4b:s8+s2], $0x80, v2, vm0, $0xb8;
	[tilespmem:$0x18080] =	vst v63  }
0xd2: {  	s21 =	simm.s32 $0xA880  }
0xd3: {  	[tilespmem:s21], [sflag:$0x2] =	stream.indirect_vreg.gather [hbm4b:s9+s2], $0x80, v2, vm0, $0xb8;
	[tilespmem:$0x18080] =	vst v63  }
0xd4: {  	s21 =	simm.s32 $0xB080  }
0xd5: {  	[tilespmem:s21], [sflag:$0x2] =	stream.indirect_vreg.gather [hbm4b:s10+s2], $0x80, v2, vm0, $0xb8;
	[tilespmem:$0x18080] =	vst v63  }
0xd6: {  	s21 =	simm.s32 $0xB880  }
0xd7: {  	[tilespmem:s21], [sflag:$0x2] =	stream.indirect_vreg.gather [hbm4b:s11+s2], $0x80, v2, vm0, $0xb8;
	[tilespmem:$0x18080] =	vst v63  }
0xd8: {  	s21 =	simm.s32 $0xC080  }
0xd9: {  	[tilespmem:s21], [sflag:$0x2] =	stream.indirect_vreg.gather [hbm4b:s12+s2], $0x80, v2, vm0, $0xb8;
	[tilespmem:$0x18080] =	vst v63  }
0xda: {  	s21 =	simm.s32 $0xC880  }
0xdb: {  	[tilespmem:s21], [sflag:$0x2] =	stream.indirect_vreg.gather [hbm4b:s13+s2], $0x80, v2, vm0, $0xb8;
	[tilespmem:$0x18080] =	vst v63  }
0xdc: {  	s21 =	simm.s32 $0xD080  }
0xdd: {  	[tilespmem:s21], [sflag:$0x2] =	stream.indirect_vreg.gather [hbm4b:s14+s2], $0x80, v2, vm0, $0xb8;
	[tilespmem:$0x18080] =	vst v63  }
0xde: {  	s21 =	simm.s32 $0xD880  }
0xdf: {  	[tilespmem:s21], [sflag:$0x2] =	stream.indirect_vreg.gather [hbm4b:s15+s2], $0x80, v2, vm0, $0xb8;
	[tilespmem:$0x18080] =	vst v63  }
0xe0: {  	s21 =	simm.s32 $0xE080  }
0xe1: {  	[tilespmem:s21], [sflag:$0x2] =	stream.indirect_vreg.gather [hbm4b:s16+s2], $0x80, v2, vm0, $0xb8;
	[tilespmem:$0x18080] =	vst v63  }
0xe2: {  	s21 =	simm.s32 $0xE880  }
0xe3: {  	[tilespmem:s21], [sflag:$0x2] =	stream.indirect_vreg.gather [hbm4b:s17+s2], $0x80, v2, vm0, $0xb8;
	[tilespmem:$0x18080] =	vst v63  }
0xe4: {  	s21 =	simm.s32 $0xF080  }
0xe5: {  	[tilespmem:s21], [sflag:$0x2] =	stream.indirect_vreg.gather [hbm4b:s18+s2], $0x80, v2, vm0, $0xb8;
	[tilespmem:$0x18080] =	vst v63  }
0xe6: {  	s21 =	simm.s32 $0xF880  }
0xe7: {  	[tilespmem:s21], [sflag:$0x2] =	stream.indirect_vreg.gather [hbm4b:s19+s2], $0x80, v2, vm0, $0xb8;
	[tilespmem:$0x18080] =	vst v63  }
0xe8: {  	_ =	swait.ge [sflag:s1], $0x8000  }
0xe9: {  	[sflag:s1] =	ssyncset.done $0x0  }
0xea: {  	s21 =	rddreg [dreg:$0x5];
	[sflag:s1] =	ssyncadd.s32 $0xFFFF8000  }
0xeb: {  	[hbm4b:s21+s2] =	stream.linear.scatter [tilespmem:s22], [sflag:$0x6], $0x8000, $0x38;
	[tilespmem:$0x18080] =	vst v63  }
0xec: {  	_ =	swait.ge [sflag:s4], $0x8000  }
0xed: {  	[sflag:s4] =	ssyncset.done $0x0  }
0xee: {  	[sflag:s4] =	ssyncadd.s32 $0xFFFF8000  }
0xef: {  	v2 =	vld.msk [tilespmem:$0x28], $0xff;
	_ =	sdelay $0x4  }
0xf0: {  	v3 =	vshll.u32 v2, $0x5  }
0xf1: {  	v2 =	vand.u32 $0x7, v2;
	v3 =	vand.u32 $0xFFFFFF00, v3  }
0xf2: {  	v2 =	vor.u32 v2, v3  }
0xf3: {  	v2 =	vperm.xlane v2, v0;
	_ =	sdelay $0x1  }
0xf4: {  	v2 =	vadd.s32 v1, v2;
	_ =	sdelay $0x4  }
0xf5: {  	[tilespmem:s22], [sflag:$0x3] =	stream.indirect_vreg.gather [hbm4b:s3+s2], $0x80, v2, vm0, $0xb8;
	[tilespmem:$0x18080] =	vst v63  }
0xf6: {  	s21 =	simm.s32 $0x10880  }
0xf7: {  	[tilespmem:s21], [sflag:$0x3] =	stream.indirect_vreg.gather [hbm4b:s5+s2], $0x80, v2, vm0, $0xb8;
	[tilespmem:$0x18080] =	vst v63  }
0xf8: {  	s21 =	simm.s32 $0x11080  }
0xf9: {  	[tilespmem:s21], [sflag:$0x3] =	stream.indirect_vreg.gather [hbm4b:s6+s2], $0x80, v2, vm0, $0xb8;
	[tilespmem:$0x18080] =	vst v63  }
0xfa: {  	s21 =	simm.s32 $0x11880  }
0xfb: {  	[tilespmem:s21], [sflag:$0x3] =	stream.indirect_vreg.gather [hbm4b:s7+s2], $0x80, v2, vm0, $0xb8;
	[tilespmem:$0x18080] =	vst v63  }
0xfc: {  	s21 =	simm.s32 $0x12080  }
0xfd: {  	[tilespmem:s21], [sflag:$0x3] =	stream.indirect_vreg.gather [hbm4b:s8+s2], $0x80, v2, vm0, $0xb8;
	[tilespmem:$0x18080] =	vst v63  }
0xfe: {  	s21 =	simm.s32 $0x12880  }
0xff: {  	[tilespmem:s21], [sflag:$0x3] =	stream.indirect_vreg.gather [hbm4b:s9+s2], $0x80, v2, vm0, $0xb8;
	[tilespmem:$0x18080] =	vst v63  }
0x100: {  	s21 =	simm.s32 $0x13080  }
0x101: {  	[tilespmem:s21], [sflag:$0x3] =	stream.indirect_vreg.gather [hbm4b:s10+s2], $0x80, v2, vm0, $0xb8;
	[tilespmem:$0x18080] =	vst v63  }
0x102: {  	s21 =	simm.s32 $0x13880  }
0x103: {  	[tilespmem:s21], [sflag:$0x3] =	stream.indirect_vreg.gather [hbm4b:s11+s2], $0x80, v2, vm0, $0xb8;
	[tilespmem:$0x18080] =	vst v63  }
0x104: {  	s21 =	simm.s32 $0x14080  }
0x105: {  	[tilespmem:s21], [sflag:$0x3] =	stream.indirect_vreg.gather [hbm4b:s12+s2], $0x80, v2, vm0, $0xb8;
	[tilespmem:$0x18080] =	vst v63  }
0x106: {  	s21 =	simm.s32 $0x14880  }
0x107: {  	[tilespmem:s21], [sflag:$0x3] =	stream.indirect_vreg.gather [hbm4b:s13+s2], $0x80, v2, vm0, $0xb8;
	[tilespmem:$0x18080] =	vst v63  }
0x108: {  	s21 =	simm.s32 $0x15080  }
0x109: {  	[tilespmem:s21], [sflag:$0x3] =	stream.indirect_vreg.gather [hbm4b:s14+s2], $0x80, v2, vm0, $0xb8;
	[tilespmem:$0x18080] =	vst v63  }
0x10a: {  	s21 =	simm.s32 $0x15880  }
0x10b: {  	[tilespmem:s21], [sflag:$0x3] =	stream.indirect_vreg.gather [hbm4b:s15+s2], $0x80, v2, vm0, $0xb8;
	[tilespmem:$0x18080] =	vst v63  }
0x10c: {  	s21 =	simm.s32 $0x16080  }
0x10d: {  	[tilespmem:s21], [sflag:$0x3] =	stream.indirect_vreg.gather [hbm4b:s16+s2], $0x80, v2, vm0, $0xb8;
	[tilespmem:$0x18080] =	vst v63  }
0x10e: {  	s21 =	simm.s32 $0x16880  }
0x10f: {  	[tilespmem:s21], [sflag:$0x3] =	stream.indirect_vreg.gather [hbm4b:s17+s2], $0x80, v2, vm0, $0xb8;
	[tilespmem:$0x18080] =	vst v63  }
0x110: {  	s21 =	simm.s32 $0x17080  }
0x111: {  	[tilespmem:s21], [sflag:$0x3] =	stream.indirect_vreg.gather [hbm4b:s18+s2], $0x80, v2, vm0, $0xb8;
	[tilespmem:$0x18080] =	vst v63  }
0x112: {  	s21 =	simm.s32 $0x17880  }
0x113: {  	[tilespmem:s21], [sflag:$0x3] =	stream.indirect_vreg.gather [hbm4b:s19+s2], $0x80, v2, vm0, $0xb8;
	[tilespmem:$0x18080] =	vst v63  }
0x114: {  	_ =	swait.ge [sflag:s29], $0x8000  }
0x115: {  	[sflag:s29] =	ssyncset.done $0x0  }
0x116: {  	s21 =	rddreg [dreg:$0x6];
	[sflag:s29] =	ssyncadd.s32 $0xFFFF8000  }
0x117: {  	[hbm4b:s21+s2] =	stream.linear.scatter [tilespmem:s23], [sflag:$0x4], $0x8000, $0x38;
	[tilespmem:$0x18080] =	vst v63  }
0x118: {  	_ =	swait.ge [sflag:s30], $0x8000  }
0x119: {  	[sflag:s30] =	ssyncset.done $0x0  }
0x11a: {  	[sflag:s30] =	ssyncadd.s32 $0xFFFF8000  }
0x11b: {  	v2 =	vld.msk [tilespmem:$0x30], $0xff;
	_ =	sdelay $0x4  }
0x11c: {  	v3 =	vshll.u32 v2, $0x5  }
0x11d: {  	v2 =	vand.u32 $0x7, v2;
	v3 =	vand.u32 $0xFFFFFF00, v3  }
0x11e: {  	v2 =	vor.u32 v2, v3  }
0x11f: {  	v2 =	vperm.xlane v2, v0;
	_ =	sdelay $0x1  }
0x120: {  	v2 =	vadd.s32 v1, v2;
	_ =	sdelay $0x4  }
0x121: {  	[tilespmem:s23], [sflag:$0x1] =	stream.indirect_vreg.gather [hbm4b:s3+s2], $0x80, v2, vm0, $0xb8;
	[tilespmem:$0x18080] =	vst v63  }
0x122: {  	s21 =	simm.s32 $0x880  }
0x123: {  	[tilespmem:s21], [sflag:$0x1] =	stream.indirect_vreg.gather [hbm4b:s5+s2], $0x80, v2, vm0, $0xb8;
	[tilespmem:$0x18080] =	vst v63  }
0x124: {  	s21 =	simm.s32 $0x1080  }
0x125: {  	[tilespmem:s21], [sflag:$0x1] =	stream.indirect_vreg.gather [hbm4b:s6+s2], $0x80, v2, vm0, $0xb8;
	[tilespmem:$0x18080] =	vst v63  }
0x126: {  	s25 =	simm.s32 $0x1880  }
0x127: {  	[tilespmem:s25], [sflag:$0x1] =	stream.indirect_vreg.gather [hbm4b:s7+s2], $0x80, v2, vm0, $0xb8;
	[tilespmem:$0x18080] =	vst v63  }
0x128: {  	s26 =	simm.s32 $0x2080  }
0x129: {  	[tilespmem:s26], [sflag:$0x1] =	stream.indirect_vreg.gather [hbm4b:s8+s2], $0x80, v2, vm0, $0xb8;
	[tilespmem:$0x18080] =	vst v63  }
0x12a: {  	s21 =	simm.s32 $0x2880  }
0x12b: {  	[tilespmem:s21], [sflag:$0x1] =	stream.indirect_vreg.gather [hbm4b:s9+s2], $0x80, v2, vm0, $0xb8;
	[tilespmem:$0x18080] =	vst v63  }
0x12c: {  	s21 =	simm.s32 $0x3080  }
0x12d: {  	[tilespmem:s21], [sflag:$0x1] =	stream.indirect_vreg.gather [hbm4b:s10+s2], $0x80, v2, vm0, $0xb8;
	[tilespmem:$0x18080] =	vst v63  }
0x12e: {  	s21 =	simm.s32 $0x3880  }
0x12f: {  	[tilespmem:s21], [sflag:$0x1] =	stream.indirect_vreg.gather [hbm4b:s11+s2], $0x80, v2, vm0, $0xb8;
	[tilespmem:$0x18080] =	vst v63  }
0x130: {  	s21 =	simm.s32 $0x4080  }
0x131: {  	[tilespmem:s21], [sflag:$0x1] =	stream.indirect_vreg.gather [hbm4b:s12+s2], $0x80, v2, vm0, $0xb8;
	[tilespmem:$0x18080] =	vst v63  }
0x132: {  	s21 =	simm.s32 $0x4880  }
0x133: {  	[tilespmem:s21], [sflag:$0x1] =	stream.indirect_vreg.gather [hbm4b:s13+s2], $0x80, v2, vm0, $0xb8;
	[tilespmem:$0x18080] =	vst v63  }
0x134: {  	s21 =	simm.s32 $0x5080  }
0x135: {  	[tilespmem:s21], [sflag:$0x1] =	stream.indirect_vreg.gather [hbm4b:s14+s2], $0x80, v2, vm0, $0xb8;
	[tilespmem:$0x18080] =	vst v63  }
0x136: {  	s21 =	simm.s32 $0x5880  }
0x137: {  	[tilespmem:s21], [sflag:$0x1] =	stream.indirect_vreg.gather [hbm4b:s15+s2], $0x80, v2, vm0, $0xb8;
	[tilespmem:$0x18080] =	vst v63  }
0x138: {  	s21 =	simm.s32 $0x6080  }
0x139: {  	[tilespmem:s21], [sflag:$0x1] =	stream.indirect_vreg.gather [hbm4b:s16+s2], $0x80, v2, vm0, $0xb8;
	[tilespmem:$0x18080] =	vst v63  }
0x13a: {  	s21 =	simm.s32 $0x6880  }
0x13b: {  	[tilespmem:s21], [sflag:$0x1] =	stream.indirect_vreg.gather [hbm4b:s17+s2], $0x80, v2, vm0, $0xb8;
	[tilespmem:$0x18080] =	vst v63  }
0x13c: {  	s21 =	simm.s32 $0x7080  }
0x13d: {  	[tilespmem:s21], [sflag:$0x1] =	stream.indirect_vreg.gather [hbm4b:s18+s2], $0x80, v2, vm0, $0xb8;
	[tilespmem:$0x18080] =	vst v63  }
0x13e: {  	s24 =	simm.s32 $0x7880  }
0x13f: {  	[tilespmem:s24], [sflag:$0x1] =	stream.indirect_vreg.gather [hbm4b:s19+s2], $0x80, v2, vm0, $0xb8;
	[tilespmem:$0x18080] =	vst v63  }
0x140: {  	_ =	swait.ge [sflag:s31], $0x8000  }
0x141: {  	[sflag:s31] =	ssyncset.done $0x0  }
0x142: {  	s21 =	rddreg [dreg:$0x7];
	[sflag:s31] =	ssyncadd.s32 $0xFFFF8000  }
0x143: {  	[hbm4b:s21+s2] =	stream.linear.scatter [tilespmem:s28], [sflag:$0x5], $0x8000, $0x38;
	[tilespmem:$0x18080] =	vst v63  }
0x144: {  	_ =	swait.ge [sflag:s0], $0x8000  }
0x145: {  	[sflag:s0] =	ssyncset.done $0x0  }
0x146: {  	[sflag:s0] =	ssyncadd.s32 $0xFFFF8000  }
0x147: {  	v2 =	vld.msk [tilespmem:$0x38], $0xff;
	_ =	sdelay $0x4  }
0x148: {  	v3 =	vshll.u32 v2, $0x5  }
0x149: {  	v2 =	vand.u32 $0x7, v2;
	v3 =	vand.u32 $0xFFFFFF00, v3  }
0x14a: {  	v2 =	vor.u32 v2, v3  }
0x14b: {  	v2 =	vperm.xlane v2, v0;
	_ =	sdelay $0x1  }
0x14c: {  	v2 =	vadd.s32 v1, v2;
	_ =	sdelay $0x4  }
0x14d: {  	[tilespmem:s28], [sflag:$0x2] =	stream.indirect_vreg.gather [hbm4b:s3+s2], $0x80, v2, vm0, $0xb8;
	[tilespmem:$0x18080] =	vst v63  }
0x14e: {  	s21 =	simm.s32 $0x8880  }
0x14f: {  	[tilespmem:s21], [sflag:$0x2] =	stream.indirect_vreg.gather [hbm4b:s5+s2], $0x80, v2, vm0, $0xb8;
	[tilespmem:$0x18080] =	vst v63  }
0x150: {  	s21 =	simm.s32 $0x9080  }
0x151: {  	[tilespmem:s21], [sflag:$0x2] =	stream.indirect_vreg.gather [hbm4b:s6+s2], $0x80, v2, vm0, $0xb8;
	[tilespmem:$0x18080] =	vst v63  }
0x152: {  	s21 =	simm.s32 $0x9880  }
0x153: {  	[tilespmem:s21], [sflag:$0x2] =	stream.indirect_vreg.gather [hbm4b:s7+s2], $0x80, v2, vm0, $0xb8;
	[tilespmem:$0x18080] =	vst v63  }
0x154: {  	s21 =	simm.s32 $0xA080  }
0x155: {  	[tilespmem:s21], [sflag:$0x2] =	stream.indirect_vreg.gather [hbm4b:s8+s2], $0x80, v2, vm0, $0xb8;
	[tilespmem:$0x18080] =	vst v63  }
0x156: {  	s21 =	simm.s32 $0xA880  }
0x157: {  	[tilespmem:s21], [sflag:$0x2] =	stream.indirect_vreg.gather [hbm4b:s9+s2], $0x80, v2, vm0, $0xb8;
	[tilespmem:$0x18080] =	vst v63  }
0x158: {  	s21 =	simm.s32 $0xB080  }
0x159: {  	[tilespmem:s21], [sflag:$0x2] =	stream.indirect_vreg.gather [hbm4b:s10+s2], $0x80, v2, vm0, $0xb8;
	[tilespmem:$0x18080] =	vst v63  }
0x15a: {  	s21 =	simm.s32 $0xB880  }
0x15b: {  	[tilespmem:s21], [sflag:$0x2] =	stream.indirect_vreg.gather [hbm4b:s11+s2], $0x80, v2, vm0, $0xb8;
	[tilespmem:$0x18080] =	vst v63  }
0x15c: {  	s21 =	simm.s32 $0xC080  }
0x15d: {  	[tilespmem:s21], [sflag:$0x2] =	stream.indirect_vreg.gather [hbm4b:s12+s2], $0x80, v2, vm0, $0xb8;
	[tilespmem:$0x18080] =	vst v63  }
0x15e: {  	s21 =	simm.s32 $0xC880  }
0x15f: {  	[tilespmem:s21], [sflag:$0x2] =	stream.indirect_vreg.gather [hbm4b:s13+s2], $0x80, v2, vm0, $0xb8;
	[tilespmem:$0x18080] =	vst v63  }
0x160: {  	s21 =	simm.s32 $0xD080  }
0x161: {  	[tilespmem:s21], [sflag:$0x2] =	stream.indirect_vreg.gather [hbm4b:s14+s2], $0x80, v2, vm0, $0xb8;
	[tilespmem:$0x18080] =	vst v63  }
0x162: {  	s21 =	simm.s32 $0xD880  }
0x163: {  	[tilespmem:s21], [sflag:$0x2] =	stream.indirect_vreg.gather [hbm4b:s15+s2], $0x80, v2, vm0, $0xb8;
	[tilespmem:$0x18080] =	vst v63  }
0x164: {  	s21 =	simm.s32 $0xE080  }
0x165: {  	[tilespmem:s21], [sflag:$0x2] =	stream.indirect_vreg.gather [hbm4b:s16+s2], $0x80, v2, vm0, $0xb8;
	[tilespmem:$0x18080] =	vst v63  }
0x166: {  	s21 =	simm.s32 $0xE880  }
0x167: {  	[tilespmem:s21], [sflag:$0x2] =	stream.indirect_vreg.gather [hbm4b:s17+s2], $0x80, v2, vm0, $0xb8;
	[tilespmem:$0x18080] =	vst v63  }
0x168: {  	s21 =	simm.s32 $0xF080  }
0x169: {  	[tilespmem:s21], [sflag:$0x2] =	stream.indirect_vreg.gather [hbm4b:s18+s2], $0x80, v2, vm0, $0xb8;
	[tilespmem:$0x18080] =	vst v63  }
0x16a: {  	s21 =	simm.s32 $0xF880  }
0x16b: {  	[tilespmem:s21], [sflag:$0x2] =	stream.indirect_vreg.gather [hbm4b:s19+s2], $0x80, v2, vm0, $0xb8;
	[tilespmem:$0x18080] =	vst v63  }
0x16c: {  	_ =	swait.ge [sflag:s1], $0x8000  }
0x16d: {  	[sflag:s1] =	ssyncset.done $0x0  }
0x16e: {  	s21 =	rddreg [dreg:$0x8];
	[sflag:s1] =	ssyncadd.s32 $0xFFFF8000  }
0x16f: {  	[hbm4b:s21+s2] =	stream.linear.scatter [tilespmem:s22], [sflag:$0x6], $0x8000, $0x38;
	[tilespmem:$0x18080] =	vst v63  }
0x170: {  	_ =	swait.ge [sflag:s4], $0x8000  }
0x171: {  	[sflag:s4] =	ssyncset.done $0x0  }
0x172: {  	[sflag:s4] =	ssyncadd.s32 $0xFFFF8000  }
0x173: {  	v2 =	vld.msk [tilespmem:$0x40], $0xff;
	_ =	sdelay $0x4  }
0x174: {  	v3 =	vshll.u32 v2, $0x5  }
0x175: {  	v2 =	vand.u32 $0x7, v2;
	v3 =	vand.u32 $0xFFFFFF00, v3  }
0x176: {  	v2 =	vor.u32 v2, v3  }
0x177: {  	v2 =	vperm.xlane v2, v0;
	_ =	sdelay $0x1  }
0x178: {  	v2 =	vadd.s32 v1, v2;
	_ =	sdelay $0x4  }
0x179: {  	[tilespmem:s22], [sflag:$0x3] =	stream.indirect_vreg.gather [hbm4b:s3+s2], $0x80, v2, vm0, $0xb8;
	[tilespmem:$0x18080] =	vst v63  }
0x17a: {  	s21 =	simm.s32 $0x10880  }
0x17b: {  	[tilespmem:s21], [sflag:$0x3] =	stream.indirect_vreg.gather [hbm4b:s5+s2], $0x80, v2, vm0, $0xb8;
	[tilespmem:$0x18080] =	vst v63  }
0x17c: {  	s21 =	simm.s32 $0x11080  }
0x17d: {  	[tilespmem:s21], [sflag:$0x3] =	stream.indirect_vreg.gather [hbm4b:s6+s2], $0x80, v2, vm0, $0xb8;
	[tilespmem:$0x18080] =	vst v63  }
0x17e: {  	s21 =	simm.s32 $0x11880  }
0x17f: {  	[tilespmem:s21], [sflag:$0x3] =	stream.indirect_vreg.gather [hbm4b:s7+s2], $0x80, v2, vm0, $0xb8;
	[tilespmem:$0x18080] =	vst v63  }
0x180: {  	s21 =	simm.s32 $0x12080  }
0x181: {  	[tilespmem:s21], [sflag:$0x3] =	stream.indirect_vreg.gather [hbm4b:s8+s2], $0x80, v2, vm0, $0xb8;
	[tilespmem:$0x18080] =	vst v63  }
0x182: {  	s21 =	simm.s32 $0x12880  }
0x183: {  	[tilespmem:s21], [sflag:$0x3] =	stream.indirect_vreg.gather [hbm4b:s9+s2], $0x80, v2, vm0, $0xb8;
	[tilespmem:$0x18080] =	vst v63  }
0x184: {  	s21 =	simm.s32 $0x13080  }
0x185: {  	[tilespmem:s21], [sflag:$0x3] =	stream.indirect_vreg.gather [hbm4b:s10+s2], $0x80, v2, vm0, $0xb8;
	[tilespmem:$0x18080] =	vst v63  }
0x186: {  	s21 =	simm.s32 $0x13880  }
0x187: {  	[tilespmem:s21], [sflag:$0x3] =	stream.indirect_vreg.gather [hbm4b:s11+s2], $0x80, v2, vm0, $0xb8;
	[tilespmem:$0x18080] =	vst v63  }
0x188: {  	s21 =	simm.s32 $0x14080  }
0x189: {  	[tilespmem:s21], [sflag:$0x3] =	stream.indirect_vreg.gather [hbm4b:s12+s2], $0x80, v2, vm0, $0xb8;
	[tilespmem:$0x18080] =	vst v63  }
0x18a: {  	s21 =	simm.s32 $0x14880  }
0x18b: {  	[tilespmem:s21], [sflag:$0x3] =	stream.indirect_vreg.gather [hbm4b:s13+s2], $0x80, v2, vm0, $0xb8;
	[tilespmem:$0x18080] =	vst v63  }
0x18c: {  	s21 =	simm.s32 $0x15080  }
0x18d: {  	[tilespmem:s21], [sflag:$0x3] =	stream.indirect_vreg.gather [hbm4b:s14+s2], $0x80, v2, vm0, $0xb8;
	[tilespmem:$0x18080] =	vst v63  }
0x18e: {  	s21 =	simm.s32 $0x15880  }
0x18f: {  	[tilespmem:s21], [sflag:$0x3] =	stream.indirect_vreg.gather [hbm4b:s15+s2], $0x80, v2, vm0, $0xb8;
	[tilespmem:$0x18080] =	vst v63  }
0x190: {  	s21 =	simm.s32 $0x16080  }
0x191: {  	[tilespmem:s21], [sflag:$0x3] =	stream.indirect_vreg.gather [hbm4b:s16+s2], $0x80, v2, vm0, $0xb8;
	[tilespmem:$0x18080] =	vst v63  }
0x192: {  	s21 =	simm.s32 $0x16880  }
0x193: {  	[tilespmem:s21], [sflag:$0x3] =	stream.indirect_vreg.gather [hbm4b:s17+s2], $0x80, v2, vm0, $0xb8;
	[tilespmem:$0x18080] =	vst v63  }
0x194: {  	s21 =	simm.s32 $0x17080  }
0x195: {  	[tilespmem:s21], [sflag:$0x3] =	stream.indirect_vreg.gather [hbm4b:s18+s2], $0x80, v2, vm0, $0xb8;
	[tilespmem:$0x18080] =	vst v63  }
0x196: {  	s21 =	simm.s32 $0x17880  }
0x197: {  	[tilespmem:s21], [sflag:$0x3] =	stream.indirect_vreg.gather [hbm4b:s19+s2], $0x80, v2, vm0, $0xb8;
	[tilespmem:$0x18080] =	vst v63  }
0x198: {  	_ =	swait.ge [sflag:s29], $0x8000  }
0x199: {  	[sflag:s29] =	ssyncset.done $0x0  }
0x19a: {  	s21 =	rddreg [dreg:$0x9];
	[sflag:s29] =	ssyncadd.s32 $0xFFFF8000  }
0x19b: {  	[hbm4b:s21+s2] =	stream.linear.scatter [tilespmem:s23], [sflag:$0x4], $0x8000, $0x38;
	[tilespmem:$0x18080] =	vst v63  }
0x19c: {  	_ =	swait.ge [sflag:s30], $0x8000  }
0x19d: {  	[sflag:s30] =	ssyncset.done $0x0  }
0x19e: {  	[sflag:s30] =	ssyncadd.s32 $0xFFFF8000  }
0x19f: {  	v2 =	vld.msk [tilespmem:$0x48], $0xff;
	_ =	sdelay $0x4  }
0x1a0: {  	v3 =	vshll.u32 v2, $0x5  }
0x1a1: {  	v2 =	vand.u32 $0x7, v2;
	v3 =	vand.u32 $0xFFFFFF00, v3  }
0x1a2: {  	v2 =	vor.u32 v2, v3  }
0x1a3: {  	v2 =	vperm.xlane v2, v0;
	_ =	sdelay $0x1  }
0x1a4: {  	v2 =	vadd.s32 v1, v2;
	_ =	sdelay $0x4  }
0x1a5: {  	[tilespmem:s23], [sflag:$0x1] =	stream.indirect_vreg.gather [hbm4b:s3+s2], $0x80, v2, vm0, $0xb8;
	[tilespmem:$0x18080] =	vst v63  }
0x1a6: {  	s21 =	simm.s32 $0x880  }
0x1a7: {  	[tilespmem:s21], [sflag:$0x1] =	stream.indirect_vreg.gather [hbm4b:s5+s2], $0x80, v2, vm0, $0xb8;
	[tilespmem:$0x18080] =	vst v63  }
0x1a8: {  	s21 =	simm.s32 $0x1080  }
0x1a9: {  	[tilespmem:s21], [sflag:$0x1] =	stream.indirect_vreg.gather [hbm4b:s6+s2], $0x80, v2, vm0, $0xb8;
	[tilespmem:$0x18080] =	vst v63  }
0x1aa: {  	s25 =	simm.s32 $0x1880  }
0x1ab: {  	[tilespmem:s25], [sflag:$0x1] =	stream.indirect_vreg.gather [hbm4b:s7+s2], $0x80, v2, vm0, $0xb8;
	[tilespmem:$0x18080] =	vst v63  }
0x1ac: {  	s26 =	simm.s32 $0x2080  }
0x1ad: {  	[tilespmem:s26], [sflag:$0x1] =	stream.indirect_vreg.gather [hbm4b:s8+s2], $0x80, v2, vm0, $0xb8;
	[tilespmem:$0x18080] =	vst v63  }
0x1ae: {  	s25 =	simm.s32 $0x2880  }
0x1af: {  	[tilespmem:s25], [sflag:$0x1] =	stream.indirect_vreg.gather [hbm4b:s9+s2], $0x80, v2, vm0, $0xb8;
	[tilespmem:$0x18080] =	vst v63  }
0x1b0: {  	s26 =	simm.s32 $0x3080  }
0x1b1: {  	[tilespmem:s26], [sflag:$0x1] =	stream.indirect_vreg.gather [hbm4b:s10+s2], $0x80, v2, vm0, $0xb8;
	[tilespmem:$0x18080] =	vst v63  }
0x1b2: {  	s25 =	simm.s32 $0x3880  }
0x1b3: {  	[tilespmem:s25], [sflag:$0x1] =	stream.indirect_vreg.gather [hbm4b:s11+s2], $0x80, v2, vm0, $0xb8;
	[tilespmem:$0x18080] =	vst v63  }
0x1b4: {  	s26 =	simm.s32 $0x4080  }
0x1b5: {  	[tilespmem:s26], [sflag:$0x1] =	stream.indirect_vreg.gather [hbm4b:s12+s2], $0x80, v2, vm0, $0xb8;
	[tilespmem:$0x18080] =	vst v63  }
0x1b6: {  	s25 =	simm.s32 $0x4880  }
0x1b7: {  	[tilespmem:s25], [sflag:$0x1] =	stream.indirect_vreg.gather [hbm4b:s13+s2], $0x80, v2, vm0, $0xb8;
	[tilespmem:$0x18080] =	vst v63  }
0x1b8: {  	s26 =	simm.s32 $0x5080  }
0x1b9: {  	[tilespmem:s26], [sflag:$0x1] =	stream.indirect_vreg.gather [hbm4b:s14+s2], $0x80, v2, vm0, $0xb8;
	[tilespmem:$0x18080] =	vst v63  }
0x1ba: {  	s25 =	simm.s32 $0x5880  }
0x1bb: {  	[tilespmem:s25], [sflag:$0x1] =	stream.indirect_vreg.gather [hbm4b:s15+s2], $0x80, v2, vm0, $0xb8;
	[tilespmem:$0x18080] =	vst v63  }
0x1bc: {  	s26 =	simm.s32 $0x6080  }
0x1bd: {  	[tilespmem:s26], [sflag:$0x1] =	stream.indirect_vreg.gather [hbm4b:s16+s2], $0x80, v2, vm0, $0xb8;
	[tilespmem:$0x18080] =	vst v63  }
0x1be: {  	s25 =	simm.s32 $0x6880  }
0x1bf: {  	[tilespmem:s25], [sflag:$0x1] =	stream.indirect_vreg.gather [hbm4b:s17+s2], $0x80, v2, vm0, $0xb8;
	[tilespmem:$0x18080] =	vst v63  }
0x1c0: {  	s26 =	simm.s32 $0x7080  }
0x1c1: {  	[tilespmem:s26], [sflag:$0x1] =	stream.indirect_vreg.gather [hbm4b:s18+s2], $0x80, v2, vm0, $0xb8;
	[tilespmem:$0x18080] =	vst v63  }
0x1c2: {  	s24 =	simm.s32 $0x7880  }
0x1c3: {  	[tilespmem:s24], [sflag:$0x1] =	stream.indirect_vreg.gather [hbm4b:s19+s2], $0x80, v2, vm0, $0xb8;
	[tilespmem:$0x18080] =	vst v63  }
0x1c4: {  	_ =	swait.ge [sflag:s31], $0x8000  }
0x1c5: {  	[sflag:s31] =	ssyncset.done $0x0  }
0x1c6: {  	s24 =	rddreg [dreg:$0xa];
	[sflag:s31] =	ssyncadd.s32 $0xFFFF8000  }
0x1c7: {  	[hbm4b:s24+s2] =	stream.linear.scatter [tilespmem:s28], [sflag:$0x5], $0x8000, $0x38;
	[tilespmem:$0x18080] =	vst v63  }
0x1c8: {  	_ =	swait.ge [sflag:s0], $0x8000  }
0x1c9: {  	[sflag:s0] =	ssyncset.done $0x0  }
0x1ca: {  	[sflag:s0] =	ssyncadd.s32 $0xFFFF8000  }
0x1cb: {  	v2 =	vld.msk [tilespmem:$0x50], $0xff;
	_ =	sdelay $0x4  }
0x1cc: {  	v3 =	vshll.u32 v2, $0x5  }
0x1cd: {  	v2 =	vand.u32 $0x7, v2;
	v3 =	vand.u32 $0xFFFFFF00, v3  }
0x1ce: {  	v2 =	vor.u32 v2, v3  }
0x1cf: {  	v2 =	vperm.xlane v2, v0;
	_ =	sdelay $0x1  }
0x1d0: {  	v2 =	vadd.s32 v1, v2;
	_ =	sdelay $0x4  }
0x1d1: {  	[tilespmem:s28], [sflag:$0x2] =	stream.indirect_vreg.gather [hbm4b:s3+s2], $0x80, v2, vm0, $0xb8;
	[tilespmem:$0x18080] =	vst v63  }
0x1d2: {  	s25 =	simm.s32 $0x8880  }
0x1d3: {  	[tilespmem:s25], [sflag:$0x2] =	stream.indirect_vreg.gather [hbm4b:s5+s2], $0x80, v2, vm0, $0xb8;
	[tilespmem:$0x18080] =	vst v63  }
0x1d4: {  	s26 =	simm.s32 $0x9080  }
0x1d5: {  	[tilespmem:s26], [sflag:$0x2] =	stream.indirect_vreg.gather [hbm4b:s6+s2], $0x80, v2, vm0, $0xb8;
	[tilespmem:$0x18080] =	vst v63  }
0x1d6: {  	s24 =	simm.s32 $0x9880  }
0x1d7: {  	[tilespmem:s24], [sflag:$0x2] =	stream.indirect_vreg.gather [hbm4b:s7+s2], $0x80, v2, vm0, $0xb8;
	[tilespmem:$0x18080] =	vst v63  }
0x1d8: {  	s25 =	simm.s32 $0xA080  }
0x1d9: {  	[tilespmem:s25], [sflag:$0x2] =	stream.indirect_vreg.gather [hbm4b:s8+s2], $0x80, v2, vm0, $0xb8;
	[tilespmem:$0x18080] =	vst v63  }
0x1da: {  	s26 =	simm.s32 $0xA880  }
0x1db: {  	[tilespmem:s26], [sflag:$0x2] =	stream.indirect_vreg.gather [hbm4b:s9+s2], $0x80, v2, vm0, $0xb8;
	[tilespmem:$0x18080] =	vst v63  }
0x1dc: {  	s24 =	simm.s32 $0xB080  }
0x1dd: {  	[tilespmem:s24], [sflag:$0x2] =	stream.indirect_vreg.gather [hbm4b:s10+s2], $0x80, v2, vm0, $0xb8;
	[tilespmem:$0x18080] =	vst v63  }
0x1de: {  	s25 =	simm.s32 $0xB880  }
0x1df: {  	[tilespmem:s25], [sflag:$0x2] =	stream.indirect_vreg.gather [hbm4b:s11+s2], $0x80, v2, vm0, $0xb8;
	[tilespmem:$0x18080] =	vst v63  }
0x1e0: {  	s26 =	simm.s32 $0xC080  }
0x1e1: {  	[tilespmem:s26], [sflag:$0x2] =	stream.indirect_vreg.gather [hbm4b:s12+s2], $0x80, v2, vm0, $0xb8;
	[tilespmem:$0x18080] =	vst v63  }
0x1e2: {  	s24 =	simm.s32 $0xC880  }
0x1e3: {  	[tilespmem:s24], [sflag:$0x2] =	stream.indirect_vreg.gather [hbm4b:s13+s2], $0x80, v2, vm0, $0xb8;
	[tilespmem:$0x18080] =	vst v63  }
0x1e4: {  	s25 =	simm.s32 $0xD080  }
0x1e5: {  	[tilespmem:s25], [sflag:$0x2] =	stream.indirect_vreg.gather [hbm4b:s14+s2], $0x80, v2, vm0, $0xb8;
	[tilespmem:$0x18080] =	vst v63  }
0x1e6: {  	s26 =	simm.s32 $0xD880  }
0x1e7: {  	[tilespmem:s26], [sflag:$0x2] =	stream.indirect_vreg.gather [hbm4b:s15+s2], $0x80, v2, vm0, $0xb8;
	[tilespmem:$0x18080] =	vst v63  }
0x1e8: {  	s24 =	simm.s32 $0xE080  }
0x1e9: {  	[tilespmem:s24], [sflag:$0x2] =	stream.indirect_vreg.gather [hbm4b:s16+s2], $0x80, v2, vm0, $0xb8;
	[tilespmem:$0x18080] =	vst v63  }
0x1ea: {  	s25 =	simm.s32 $0xE880  }
0x1eb: {  	[tilespmem:s25], [sflag:$0x2] =	stream.indirect_vreg.gather [hbm4b:s17+s2], $0x80, v2, vm0, $0xb8;
	[tilespmem:$0x18080] =	vst v63  }
0x1ec: {  	s26 =	simm.s32 $0xF080  }
0x1ed: {  	[tilespmem:s26], [sflag:$0x2] =	stream.indirect_vreg.gather [hbm4b:s18+s2], $0x80, v2, vm0, $0xb8;
	[tilespmem:$0x18080] =	vst v63  }
0x1ee: {  	s24 =	simm.s32 $0xF880  }
0x1ef: {  	[tilespmem:s24], [sflag:$0x2] =	stream.indirect_vreg.gather [hbm4b:s19+s2], $0x80, v2, vm0, $0xb8;
	[tilespmem:$0x18080] =	vst v63  }
0x1f0: {  	_ =	swait.ge [sflag:s1], $0x8000  }
0x1f1: {  	[sflag:s1] =	ssyncset.done $0x0  }
0x1f2: {  	s25 =	rddreg [dreg:$0xb];
	[sflag:s1] =	ssyncadd.s32 $0xFFFF8000  }
0x1f3: {  	[hbm4b:s25+s2] =	stream.linear.scatter [tilespmem:s22], [sflag:$0x6], $0x8000, $0x38;
	[tilespmem:$0x18080] =	vst v63  }
0x1f4: {  	_ =	swait.ge [sflag:s4], $0x8000  }
0x1f5: {  	[sflag:s4] =	ssyncset.done $0x0  }
0x1f6: {  	[sflag:s4] =	ssyncadd.s32 $0xFFFF8000  }
0x1f7: {  	v2 =	vld.msk [tilespmem:$0x58], $0xff;
	_ =	sdelay $0x4  }
0x1f8: {  	v3 =	vshll.u32 v2, $0x5  }
0x1f9: {  	v2 =	vand.u32 $0x7, v2;
	v3 =	vand.u32 $0xFFFFFF00, v3  }
0x1fa: {  	v2 =	vor.u32 v2, v3  }
0x1fb: {  	v2 =	vperm.xlane v2, v0;
	_ =	sdelay $0x1  }
0x1fc: {  	v2 =	vadd.s32 v1, v2;
	_ =	sdelay $0x4  }
0x1fd: {  	[tilespmem:s22], [sflag:$0x3] =	stream.indirect_vreg.gather [hbm4b:s3+s2], $0x80, v2, vm0, $0xb8;
	[tilespmem:$0x18080] =	vst v63  }
0x1fe: {  	s26 =	simm.s32 $0x10880  }
0x1ff: {  	[tilespmem:s26], [sflag:$0x3] =	stream.indirect_vreg.gather [hbm4b:s5+s2], $0x80, v2, vm0, $0xb8;
	[tilespmem:$0x18080] =	vst v63  }
0x200: {  	s24 =	simm.s32 $0x11080  }
0x201: {  	[tilespmem:s24], [sflag:$0x3] =	stream.indirect_vreg.gather [hbm4b:s6+s2], $0x80, v2, vm0, $0xb8;
	[tilespmem:$0x18080] =	vst v63  }
0x202: {  	s25 =	simm.s32 $0x11880  }
0x203: {  	[tilespmem:s25], [sflag:$0x3] =	stream.indirect_vreg.gather [hbm4b:s7+s2], $0x80, v2, vm0, $0xb8;
	[tilespmem:$0x18080] =	vst v63  }
0x204: {  	s26 =	simm.s32 $0x12080  }
0x205: {  	[tilespmem:s26], [sflag:$0x3] =	stream.indirect_vreg.gather [hbm4b:s8+s2], $0x80, v2, vm0, $0xb8;
	[tilespmem:$0x18080] =	vst v63  }
0x206: {  	s24 =	simm.s32 $0x12880  }
0x207: {  	[tilespmem:s24], [sflag:$0x3] =	stream.indirect_vreg.gather [hbm4b:s9+s2], $0x80, v2, vm0, $0xb8;
	[tilespmem:$0x18080] =	vst v63  }
0x208: {  	s25 =	simm.s32 $0x13080  }
0x209: {  	[tilespmem:s25], [sflag:$0x3] =	stream.indirect_vreg.gather [hbm4b:s10+s2], $0x80, v2, vm0, $0xb8;
	[tilespmem:$0x18080] =	vst v63  }
0x20a: {  	s26 =	simm.s32 $0x13880  }
0x20b: {  	[tilespmem:s26], [sflag:$0x3] =	stream.indirect_vreg.gather [hbm4b:s11+s2], $0x80, v2, vm0, $0xb8;
	[tilespmem:$0x18080] =	vst v63  }
0x20c: {  	s24 =	simm.s32 $0x14080  }
0x20d: {  	[tilespmem:s24], [sflag:$0x3] =	stream.indirect_vreg.gather [hbm4b:s12+s2], $0x80, v2, vm0, $0xb8;
	[tilespmem:$0x18080] =	vst v63  }
0x20e: {  	s25 =	simm.s32 $0x14880  }
0x20f: {  	[tilespmem:s25], [sflag:$0x3] =	stream.indirect_vreg.gather [hbm4b:s13+s2], $0x80, v2, vm0, $0xb8;
	[tilespmem:$0x18080] =	vst v63  }
0x210: {  	s26 =	simm.s32 $0x15080  }
0x211: {  	[tilespmem:s26], [sflag:$0x3] =	stream.indirect_vreg.gather [hbm4b:s14+s2], $0x80, v2, vm0, $0xb8;
	[tilespmem:$0x18080] =	vst v63  }
0x212: {  	s24 =	simm.s32 $0x15880  }
0x213: {  	[tilespmem:s24], [sflag:$0x3] =	stream.indirect_vreg.gather [hbm4b:s15+s2], $0x80, v2, vm0, $0xb8;
	[tilespmem:$0x18080] =	vst v63  }
0x214: {  	s25 =	simm.s32 $0x16080  }
0x215: {  	[tilespmem:s25], [sflag:$0x3] =	stream.indirect_vreg.gather [hbm4b:s16+s2], $0x80, v2, vm0, $0xb8;
	[tilespmem:$0x18080] =	vst v63  }
0x216: {  	s26 =	simm.s32 $0x16880  }
0x217: {  	[tilespmem:s26], [sflag:$0x3] =	stream.indirect_vreg.gather [hbm4b:s17+s2], $0x80, v2, vm0, $0xb8;
	[tilespmem:$0x18080] =	vst v63  }
0x218: {  	s24 =	simm.s32 $0x17080  }
0x219: {  	[tilespmem:s24], [sflag:$0x3] =	stream.indirect_vreg.gather [hbm4b:s18+s2], $0x80, v2, vm0, $0xb8;
	[tilespmem:$0x18080] =	vst v63  }
0x21a: {  	s25 =	simm.s32 $0x17880  }
0x21b: {  	[tilespmem:s25], [sflag:$0x3] =	stream.indirect_vreg.gather [hbm4b:s19+s2], $0x80, v2, vm0, $0xb8;
	[tilespmem:$0x18080] =	vst v63  }
0x21c: {  	_ =	swait.ge [sflag:s29], $0x8000  }
0x21d: {  	[sflag:s29] =	ssyncset.done $0x0  }
0x21e: {  	s26 =	rddreg [dreg:$0xc];
	[sflag:s29] =	ssyncadd.s32 $0xFFFF8000  }
0x21f: {  	[hbm4b:s26+s2] =	stream.linear.scatter [tilespmem:s23], [sflag:$0x4], $0x8000, $0x38;
	[tilespmem:$0x18080] =	vst v63  }
0x220: {  	_ =	swait.ge [sflag:s30], $0x8000  }
0x221: {  	[sflag:s30] =	ssyncset.done $0x0  }
0x222: {  	[sflag:s30] =	ssyncadd.s32 $0xFFFF8000  }
0x223: {  	v2 =	vld.msk [tilespmem:$0x60], $0xff;
	_ =	sdelay $0x4  }
0x224: {  	v3 =	vshll.u32 v2, $0x5  }
0x225: {  	v2 =	vand.u32 $0x7, v2;
	v3 =	vand.u32 $0xFFFFFF00, v3  }
0x226: {  	v2 =	vor.u32 v2, v3  }
0x227: {  	v2 =	vperm.xlane v2, v0;
	_ =	sdelay $0x1  }
0x228: {  	v2 =	vadd.s32 v1, v2;
	_ =	sdelay $0x4  }
0x229: {  	[tilespmem:s23], [sflag:$0x1] =	stream.indirect_vreg.gather [hbm4b:s3+s2], $0x80, v2, vm0, $0xb8;
	[tilespmem:$0x18080] =	vst v63  }
0x22a: {  	s24 =	simm.s32 $0x880  }
0x22b: {  	[tilespmem:s24], [sflag:$0x1] =	stream.indirect_vreg.gather [hbm4b:s5+s2], $0x80, v2, vm0, $0xb8;
	[tilespmem:$0x18080] =	vst v63  }
0x22c: {  	s25 =	simm.s32 $0x1080  }
0x22d: {  	[tilespmem:s25], [sflag:$0x1] =	stream.indirect_vreg.gather [hbm4b:s6+s2], $0x80, v2, vm0, $0xb8;
	[tilespmem:$0x18080] =	vst v63  }
0x22e: {  	s26 =	simm.s32 $0x1880  }
0x22f: {  	[tilespmem:s26], [sflag:$0x1] =	stream.indirect_vreg.gather [hbm4b:s7+s2], $0x80, v2, vm0, $0xb8;
	[tilespmem:$0x18080] =	vst v63  }
0x230: {  	s21 =	simm.s32 $0x2080  }
0x231: {  	[tilespmem:s21], [sflag:$0x1] =	stream.indirect_vreg.gather [hbm4b:s8+s2], $0x80, v2, vm0, $0xb8;
	[tilespmem:$0x18080] =	vst v63  }
0x232: {  	s21 =	simm.s32 $0x2880  }
0x233: {  	[tilespmem:s21], [sflag:$0x1] =	stream.indirect_vreg.gather [hbm4b:s9+s2], $0x80, v2, vm0, $0xb8;
	[tilespmem:$0x18080] =	vst v63  }
0x234: {  	s21 =	simm.s32 $0x3080  }
0x235: {  	[tilespmem:s21], [sflag:$0x1] =	stream.indirect_vreg.gather [hbm4b:s10+s2], $0x80, v2, vm0, $0xb8;
	[tilespmem:$0x18080] =	vst v63  }
0x236: {  	s21 =	simm.s32 $0x3880  }
0x237: {  	[tilespmem:s21], [sflag:$0x1] =	stream.indirect_vreg.gather [hbm4b:s11+s2], $0x80, v2, vm0, $0xb8;
	[tilespmem:$0x18080] =	vst v63  }
0x238: {  	s21 =	simm.s32 $0x4080  }
0x239: {  	[tilespmem:s21], [sflag:$0x1] =	stream.indirect_vreg.gather [hbm4b:s12+s2], $0x80, v2, vm0, $0xb8;
	[tilespmem:$0x18080] =	vst v63  }
0x23a: {  	s21 =	simm.s32 $0x4880  }
0x23b: {  	[tilespmem:s21], [sflag:$0x1] =	stream.indirect_vreg.gather [hbm4b:s13+s2], $0x80, v2, vm0, $0xb8;
	[tilespmem:$0x18080] =	vst v63  }
0x23c: {  	s21 =	simm.s32 $0x5080  }
0x23d: {  	[tilespmem:s21], [sflag:$0x1] =	stream.indirect_vreg.gather [hbm4b:s14+s2], $0x80, v2, vm0, $0xb8;
	[tilespmem:$0x18080] =	vst v63  }
0x23e: {  	s21 =	simm.s32 $0x5880  }
0x23f: {  	[tilespmem:s21], [sflag:$0x1] =	stream.indirect_vreg.gather [hbm4b:s15+s2], $0x80, v2, vm0, $0xb8;
	[tilespmem:$0x18080] =	vst v63  }
0x240: {  	s21 =	simm.s32 $0x6080  }
0x241: {  	[tilespmem:s21], [sflag:$0x1] =	stream.indirect_vreg.gather [hbm4b:s16+s2], $0x80, v2, vm0, $0xb8;
	[tilespmem:$0x18080] =	vst v63  }
0x242: {  	s21 =	simm.s32 $0x6880  }
0x243: {  	[tilespmem:s21], [sflag:$0x1] =	stream.indirect_vreg.gather [hbm4b:s17+s2], $0x80, v2, vm0, $0xb8;
	[tilespmem:$0x18080] =	vst v63  }
0x244: {  	s21 =	simm.s32 $0x7080  }
0x245: {  	[tilespmem:s21], [sflag:$0x1] =	stream.indirect_vreg.gather [hbm4b:s18+s2], $0x80, v2, vm0, $0xb8;
	[tilespmem:$0x18080] =	vst v63  }
0x246: {  	s21 =	simm.s32 $0x7880  }
0x247: {  	[tilespmem:s21], [sflag:$0x1] =	stream.indirect_vreg.gather [hbm4b:s19+s2], $0x80, v2, vm0, $0xb8;
	[tilespmem:$0x18080] =	vst v63  }
0x248: {  	_ =	swait.ge [sflag:s31], $0x8000  }
0x249: {  	[sflag:s31] =	ssyncset.done $0x0  }
0x24a: {  	s21 =	rddreg [dreg:$0xd];
	[sflag:s31] =	ssyncadd.s32 $0xFFFF8000  }
0x24b: {  	[hbm4b:s21+s2] =	stream.linear.scatter [tilespmem:s28], [sflag:$0x5], $0x8000, $0x38;
	[tilespmem:$0x18080] =	vst v63  }
0x24c: {  	_ =	swait.ge [sflag:s0], $0x8000  }
0x24d: {  	[sflag:s0] =	ssyncset.done $0x0  }
0x24e: {  	[sflag:s0] =	ssyncadd.s32 $0xFFFF8000  }
0x24f: {  	v2 =	vld.msk [tilespmem:$0x68], $0xff;
	_ =	sdelay $0x4  }
0x250: {  	v3 =	vshll.u32 v2, $0x5  }
0x251: {  	v2 =	vand.u32 $0x7, v2;
	v3 =	vand.u32 $0xFFFFFF00, v3  }
0x252: {  	v2 =	vor.u32 v2, v3  }
0x253: {  	v2 =	vperm.xlane v2, v0;
	_ =	sdelay $0x1  }
0x254: {  	v2 =	vadd.s32 v1, v2;
	_ =	sdelay $0x4  }
0x255: {  	[tilespmem:s28], [sflag:$0x2] =	stream.indirect_vreg.gather [hbm4b:s3+s2], $0x80, v2, vm0, $0xb8;
	[tilespmem:$0x18080] =	vst v63  }
0x256: {  	s21 =	simm.s32 $0x8880  }
0x257: {  	[tilespmem:s21], [sflag:$0x2] =	stream.indirect_vreg.gather [hbm4b:s5+s2], $0x80, v2, vm0, $0xb8;
	[tilespmem:$0x18080] =	vst v63  }
0x258: {  	s21 =	simm.s32 $0x9080  }
0x259: {  	[tilespmem:s21], [sflag:$0x2] =	stream.indirect_vreg.gather [hbm4b:s6+s2], $0x80, v2, vm0, $0xb8;
	[tilespmem:$0x18080] =	vst v63  }
0x25a: {  	s21 =	simm.s32 $0x9880  }
0x25b: {  	[tilespmem:s21], [sflag:$0x2] =	stream.indirect_vreg.gather [hbm4b:s7+s2], $0x80, v2, vm0, $0xb8;
	[tilespmem:$0x18080] =	vst v63  }
0x25c: {  	s21 =	simm.s32 $0xA080  }
0x25d: {  	[tilespmem:s21], [sflag:$0x2] =	stream.indirect_vreg.gather [hbm4b:s8+s2], $0x80, v2, vm0, $0xb8;
	[tilespmem:$0x18080] =	vst v63  }
0x25e: {  	s21 =	simm.s32 $0xA880  }
0x25f: {  	[tilespmem:s21], [sflag:$0x2] =	stream.indirect_vreg.gather [hbm4b:s9+s2], $0x80, v2, vm0, $0xb8;
	[tilespmem:$0x18080] =	vst v63  }
0x260: {  	s21 =	simm.s32 $0xB080  }
0x261: {  	[tilespmem:s21], [sflag:$0x2] =	stream.indirect_vreg.gather [hbm4b:s10+s2], $0x80, v2, vm0, $0xb8;
	[tilespmem:$0x18080] =	vst v63  }
0x262: {  	s21 =	simm.s32 $0xB880  }
0x263: {  	[tilespmem:s21], [sflag:$0x2] =	stream.indirect_vreg.gather [hbm4b:s11+s2], $0x80, v2, vm0, $0xb8;
	[tilespmem:$0x18080] =	vst v63  }
0x264: {  	s21 =	simm.s32 $0xC080  }
0x265: {  	[tilespmem:s21], [sflag:$0x2] =	stream.indirect_vreg.gather [hbm4b:s12+s2], $0x80, v2, vm0, $0xb8;
	[tilespmem:$0x18080] =	vst v63  }
0x266: {  	s21 =	simm.s32 $0xC880  }
0x267: {  	[tilespmem:s21], [sflag:$0x2] =	stream.indirect_vreg.gather [hbm4b:s13+s2], $0x80, v2, vm0, $0xb8;
	[tilespmem:$0x18080] =	vst v63  }
0x268: {  	s21 =	simm.s32 $0xD080  }
0x269: {  	[tilespmem:s21], [sflag:$0x2] =	stream.indirect_vreg.gather [hbm4b:s14+s2], $0x80, v2, vm0, $0xb8;
	[tilespmem:$0x18080] =	vst v63  }
0x26a: {  	s21 =	simm.s32 $0xD880  }
0x26b: {  	[tilespmem:s21], [sflag:$0x2] =	stream.indirect_vreg.gather [hbm4b:s15+s2], $0x80, v2, vm0, $0xb8;
	[tilespmem:$0x18080] =	vst v63  }
0x26c: {  	s21 =	simm.s32 $0xE080  }
0x26d: {  	[tilespmem:s21], [sflag:$0x2] =	stream.indirect_vreg.gather [hbm4b:s16+s2], $0x80, v2, vm0, $0xb8;
	[tilespmem:$0x18080] =	vst v63  }
0x26e: {  	s21 =	simm.s32 $0xE880  }
0x26f: {  	[tilespmem:s21], [sflag:$0x2] =	stream.indirect_vreg.gather [hbm4b:s17+s2], $0x80, v2, vm0, $0xb8;
	[tilespmem:$0x18080] =	vst v63  }
0x270: {  	s21 =	simm.s32 $0xF080  }
0x271: {  	[tilespmem:s21], [sflag:$0x2] =	stream.indirect_vreg.gather [hbm4b:s18+s2], $0x80, v2, vm0, $0xb8;
	[tilespmem:$0x18080] =	vst v63  }
0x272: {  	s21 =	simm.s32 $0xF880  }
0x273: {  	[tilespmem:s21], [sflag:$0x2] =	stream.indirect_vreg.gather [hbm4b:s19+s2], $0x80, v2, vm0, $0xb8;
	[tilespmem:$0x18080] =	vst v63  }
0x274: {  	_ =	swait.ge [sflag:s1], $0x8000  }
0x275: {  	[sflag:s1] =	ssyncset.done $0x0  }
0x276: {  	s21 =	rddreg [dreg:$0xe];
	[sflag:s1] =	ssyncadd.s32 $0xFFFF8000  }
0x277: {  	[hbm4b:s21+s2] =	stream.linear.scatter [tilespmem:s22], [sflag:$0x6], $0x8000, $0x38;
	[tilespmem:$0x18080] =	vst v63  }
0x278: {  	_ =	swait.ge [sflag:s4], $0x8000  }
0x279: {  	[sflag:s4] =	ssyncset.done $0x0  }
0x27a: {  	[sflag:s4] =	ssyncadd.s32 $0xFFFF8000  }
0x27b: {  	v2 =	vld.msk [tilespmem:$0x70], $0xff;
	_ =	sdelay $0x4  }
0x27c: {  	v3 =	vshll.u32 v2, $0x5  }
0x27d: {  	v2 =	vand.u32 $0x7, v2;
	v3 =	vand.u32 $0xFFFFFF00, v3  }
0x27e: {  	v2 =	vor.u32 v2, v3  }
0x27f: {  	v2 =	vperm.xlane v2, v0;
	_ =	sdelay $0x1  }
0x280: {  	v2 =	vadd.s32 v1, v2;
	_ =	sdelay $0x4  }
0x281: {  	[tilespmem:s22], [sflag:$0x3] =	stream.indirect_vreg.gather [hbm4b:s3+s2], $0x80, v2, vm0, $0xb8;
	[tilespmem:$0x18080] =	vst v63  }
0x282: {  	s21 =	simm.s32 $0x10880  }
0x283: {  	[tilespmem:s21], [sflag:$0x3] =	stream.indirect_vreg.gather [hbm4b:s5+s2], $0x80, v2, vm0, $0xb8;
	[tilespmem:$0x18080] =	vst v63  }
0x284: {  	s21 =	simm.s32 $0x11080  }
0x285: {  	[tilespmem:s21], [sflag:$0x3] =	stream.indirect_vreg.gather [hbm4b:s6+s2], $0x80, v2, vm0, $0xb8;
	[tilespmem:$0x18080] =	vst v63  }
0x286: {  	s21 =	simm.s32 $0x11880  }
0x287: {  	[tilespmem:s21], [sflag:$0x3] =	stream.indirect_vreg.gather [hbm4b:s7+s2], $0x80, v2, vm0, $0xb8;
	[tilespmem:$0x18080] =	vst v63  }
0x288: {  	s21 =	simm.s32 $0x12080  }
0x289: {  	[tilespmem:s21], [sflag:$0x3] =	stream.indirect_vreg.gather [hbm4b:s8+s2], $0x80, v2, vm0, $0xb8;
	[tilespmem:$0x18080] =	vst v63  }
0x28a: {  	s21 =	simm.s32 $0x12880  }
0x28b: {  	[tilespmem:s21], [sflag:$0x3] =	stream.indirect_vreg.gather [hbm4b:s9+s2], $0x80, v2, vm0, $0xb8;
	[tilespmem:$0x18080] =	vst v63  }
0x28c: {  	s21 =	simm.s32 $0x13080  }
0x28d: {  	[tilespmem:s21], [sflag:$0x3] =	stream.indirect_vreg.gather [hbm4b:s10+s2], $0x80, v2, vm0, $0xb8;
	[tilespmem:$0x18080] =	vst v63  }
0x28e: {  	s21 =	simm.s32 $0x13880  }
0x28f: {  	[tilespmem:s21], [sflag:$0x3] =	stream.indirect_vreg.gather [hbm4b:s11+s2], $0x80, v2, vm0, $0xb8;
	[tilespmem:$0x18080] =	vst v63  }
0x290: {  	s21 =	simm.s32 $0x14080  }
0x291: {  	[tilespmem:s21], [sflag:$0x3] =	stream.indirect_vreg.gather [hbm4b:s12+s2], $0x80, v2, vm0, $0xb8;
	[tilespmem:$0x18080] =	vst v63  }
0x292: {  	s21 =	simm.s32 $0x14880  }
0x293: {  	[tilespmem:s21], [sflag:$0x3] =	stream.indirect_vreg.gather [hbm4b:s13+s2], $0x80, v2, vm0, $0xb8;
	[tilespmem:$0x18080] =	vst v63  }
0x294: {  	s21 =	simm.s32 $0x15080  }
0x295: {  	[tilespmem:s21], [sflag:$0x3] =	stream.indirect_vreg.gather [hbm4b:s14+s2], $0x80, v2, vm0, $0xb8;
	[tilespmem:$0x18080] =	vst v63  }
0x296: {  	s21 =	simm.s32 $0x15880  }
0x297: {  	[tilespmem:s21], [sflag:$0x3] =	stream.indirect_vreg.gather [hbm4b:s15+s2], $0x80, v2, vm0, $0xb8;
	[tilespmem:$0x18080] =	vst v63  }
0x298: {  	s21 =	simm.s32 $0x16080  }
0x299: {  	[tilespmem:s21], [sflag:$0x3] =	stream.indirect_vreg.gather [hbm4b:s16+s2], $0x80, v2, vm0, $0xb8;
	[tilespmem:$0x18080] =	vst v63  }
0x29a: {  	s21 =	simm.s32 $0x16880  }
0x29b: {  	[tilespmem:s21], [sflag:$0x3] =	stream.indirect_vreg.gather [hbm4b:s17+s2], $0x80, v2, vm0, $0xb8;
	[tilespmem:$0x18080] =	vst v63  }
0x29c: {  	s21 =	simm.s32 $0x17080  }
0x29d: {  	[tilespmem:s21], [sflag:$0x3] =	stream.indirect_vreg.gather [hbm4b:s18+s2], $0x80, v2, vm0, $0xb8;
	[tilespmem:$0x18080] =	vst v63  }
0x29e: {  	s21 =	simm.s32 $0x17880  }
0x29f: {  	[tilespmem:s21], [sflag:$0x3] =	stream.indirect_vreg.gather [hbm4b:s19+s2], $0x80, v2, vm0, $0xb8;
	[tilespmem:$0x18080] =	vst v63  }
0x2a0: {  	_ =	swait.ge [sflag:s29], $0x8000  }
0x2a1: {  	[sflag:s29] =	ssyncset.done $0x0  }
0x2a2: {  	s21 =	rddreg [dreg:$0xf];
	[sflag:s29] =	ssyncadd.s32 $0xFFFF8000  }
0x2a3: {  	[hbm4b:s21+s2] =	stream.linear.scatter [tilespmem:s23], [sflag:$0x4], $0x8000, $0x38;
	[tilespmem:$0x18080] =	vst v63  }
0x2a4: {  	_ =	swait.ge [sflag:s30], $0x8000  }
0x2a5: {  	[sflag:s30] =	ssyncset.done $0x0  }
0x2a6: {  	[sflag:s30] =	ssyncadd.s32 $0xFFFF8000  }
0x2a7: {  	v2 =	vld.msk [tilespmem:$0x78], $0xff;
	_ =	sdelay $0x4  }
0x2a8: {  	v3 =	vshll.u32 v2, $0x5  }
0x2a9: {  	v2 =	vand.u32 $0x7, v2;
	v3 =	vand.u32 $0xFFFFFF00, v3  }
0x2aa: {  	v2 =	vor.u32 v2, v3  }
0x2ab: {  	v2 =	vperm.xlane v2, v0;
	_ =	sdelay $0x1  }
0x2ac: {  	v2 =	vadd.s32 v1, v2;
	_ =	sdelay $0x4  }
0x2ad: {  	[tilespmem:s23], [sflag:$0x1] =	stream.indirect_vreg.gather [hbm4b:s3+s2], $0x80, v2, vm0, $0xb8;
	[tilespmem:$0x18080] =	vst v63  }
0x2ae: {  	s24 =	simm.s32 $0x880  }
0x2af: {  	[tilespmem:s24], [sflag:$0x1] =	stream.indirect_vreg.gather [hbm4b:s5+s2], $0x80, v2, vm0, $0xb8;
	[tilespmem:$0x18080] =	vst v63  }
0x2b0: {  	s25 =	simm.s32 $0x1080  }
0x2b1: {  	[tilespmem:s25], [sflag:$0x1] =	stream.indirect_vreg.gather [hbm4b:s6+s2], $0x80, v2, vm0, $0xb8;
	[tilespmem:$0x18080] =	vst v63  }
0x2b2: {  	s26 =	simm.s32 $0x1880  }
0x2b3: {  	[tilespmem:s26], [sflag:$0x1] =	stream.indirect_vreg.gather [hbm4b:s7+s2], $0x80, v2, vm0, $0xb8;
	[tilespmem:$0x18080] =	vst v63  }
0x2b4: {  	s24 =	simm.s32 $0x2080  }
0x2b5: {  	[tilespmem:s24], [sflag:$0x1] =	stream.indirect_vreg.gather [hbm4b:s8+s2], $0x80, v2, vm0, $0xb8;
	[tilespmem:$0x18080] =	vst v63  }
0x2b6: {  	s25 =	simm.s32 $0x2880  }
0x2b7: {  	[tilespmem:s25], [sflag:$0x1] =	stream.indirect_vreg.gather [hbm4b:s9+s2], $0x80, v2, vm0, $0xb8;
	[tilespmem:$0x18080] =	vst v63  }
0x2b8: {  	s26 =	simm.s32 $0x3080  }
0x2b9: {  	[tilespmem:s26], [sflag:$0x1] =	stream.indirect_vreg.gather [hbm4b:s10+s2], $0x80, v2, vm0, $0xb8;
	[tilespmem:$0x18080] =	vst v63  }
0x2ba: {  	s24 =	simm.s32 $0x3880  }
0x2bb: {  	[tilespmem:s24], [sflag:$0x1] =	stream.indirect_vreg.gather [hbm4b:s11+s2], $0x80, v2, vm0, $0xb8;
	[tilespmem:$0x18080] =	vst v63  }
0x2bc: {  	s25 =	simm.s32 $0x4080  }
0x2bd: {  	[tilespmem:s25], [sflag:$0x1] =	stream.indirect_vreg.gather [hbm4b:s12+s2], $0x80, v2, vm0, $0xb8;
	[tilespmem:$0x18080] =	vst v63  }
0x2be: {  	s26 =	simm.s32 $0x4880  }
0x2bf: {  	[tilespmem:s26], [sflag:$0x1] =	stream.indirect_vreg.gather [hbm4b:s13+s2], $0x80, v2, vm0, $0xb8;
	[tilespmem:$0x18080] =	vst v63  }
0x2c0: {  	s24 =	simm.s32 $0x5080  }
0x2c1: {  	[tilespmem:s24], [sflag:$0x1] =	stream.indirect_vreg.gather [hbm4b:s14+s2], $0x80, v2, vm0, $0xb8;
	[tilespmem:$0x18080] =	vst v63  }
0x2c2: {  	s25 =	simm.s32 $0x5880  }
0x2c3: {  	[tilespmem:s25], [sflag:$0x1] =	stream.indirect_vreg.gather [hbm4b:s15+s2], $0x80, v2, vm0, $0xb8;
	[tilespmem:$0x18080] =	vst v63  }
0x2c4: {  	s26 =	simm.s32 $0x6080  }
0x2c5: {  	[tilespmem:s26], [sflag:$0x1] =	stream.indirect_vreg.gather [hbm4b:s16+s2], $0x80, v2, vm0, $0xb8;
	[tilespmem:$0x18080] =	vst v63  }
0x2c6: {  	s24 =	simm.s32 $0x6880  }
0x2c7: {  	[tilespmem:s24], [sflag:$0x1] =	stream.indirect_vreg.gather [hbm4b:s17+s2], $0x80, v2, vm0, $0xb8;
	[tilespmem:$0x18080] =	vst v63  }
0x2c8: {  	s25 =	simm.s32 $0x7080  }
0x2c9: {  	[tilespmem:s25], [sflag:$0x1] =	stream.indirect_vreg.gather [hbm4b:s18+s2], $0x80, v2, vm0, $0xb8;
	[tilespmem:$0x18080] =	vst v63  }
0x2ca: {  	s26 =	simm.s32 $0x7880  }
0x2cb: {  	[tilespmem:s26], [sflag:$0x1] =	stream.indirect_vreg.gather [hbm4b:s19+s2], $0x80, v2, vm0, $0xb8;
	[tilespmem:$0x18080] =	vst v63  }
0x2cc: {  	_ =	swait.ge [sflag:s31], $0x8000  }
0x2cd: {  	[sflag:s31] =	ssyncset.done $0x0  }
0x2ce: {  	s24 =	rddreg [dreg:$0x10];
	[sflag:s31] =	ssyncadd.s32 $0xFFFF8000  }
0x2cf: {  	[hbm4b:s24+s2] =	stream.linear.scatter [tilespmem:s28], [sflag:$0x5], $0x8000, $0x38;
	[tilespmem:$0x18080] =	vst v63  }
0x2d0: {  	_ =	swait.ge [sflag:s1], $0x8000  }
0x2d1: {  	[sflag:s1] =	ssyncset.done $0x0  }
0x2d2: {  	s25 =	rddreg [dreg:$0x11];
	[sflag:s1] =	ssyncadd.s32 $0xFFFF8000  }
0x2d3: {  	[hbm4b:s25+s2] =	stream.linear.scatter [tilespmem:s22], [sflag:$0x6], $0x8000, $0x38;
	[tilespmem:$0x18080] =	vst v63  }
0x2d4: {  	_ =	swait.ge [sflag:s29], $0x8000  }
0x2d5: {  	[sflag:s29] =	ssyncset.done $0x0  }
0x2d6: {  	s26 =	rddreg [dreg:$0x12];
	[sflag:s29] =	ssyncadd.s32 $0xFFFF8000  }
0x2d7: {  	[hbm4b:s26+s2] =	stream.linear.scatter [tilespmem:s23], [sflag:$0x4], $0x8000, $0x38;
	[tilespmem:$0x18080] =	vst v63  }
0x2d8: {  	_ =	swait.ge [sflag:s0], $0x8000  }
0x2d9: {  	[sflag:s0] =	ssyncset.done $0x0  }
0x2da: {  	[sflag:s0] =	ssyncadd.s32 $0xFFFF8000  }
0x2db: {  	p0 =	sne.s32 s20, $0x1;
	_ =	swait.ge [sflag:s4], $0x8000  }
.Ltmp0:
0x2dc: {  	[sflag:s4] =	ssyncset.done $0x0;
	(pc) =	sbr.rel @p0 .LBB2_1-.Ltmp0, $4  }
0x2dd: {  	[sflag:s4] =	ssyncadd.s32 $0xFFFF8000  }
0x2de: {  	_ =	swait.ge [sflag:s30], $0x8000  }
0x2df: {  	[sflag:s30] =	ssyncset.done $0x0  }
0x2e0: {  	s20 =	sadd.s32 $0xFFFFFFFF, s20;
	[sflag:s30] =	ssyncadd.s32 $0xFFFF8000  }
0x2e1: {  	_ =	sfence.sel $0x180000  }
0x2e2: {  	[bflag:$0x0] =	sbarrier.arrive $0xFFFF  }
0x2e3: {  	_ =	strace $0x90000047  }
0x2e4: {  	s0 =	stileid.u32;
	[bflag:$0x2] =	sbarrier.arrive $0xFFFF  }
0x2e5: {  	p0 =	sne.s32 s0, $0x0;
	s0 =	rddreg [dreg:$0x2]  }
0x2e6: {  	s0 =	sadd.s32 @!p0 $0x100000, s0  }
0x2e7: {  	[sflag:s0] =	ssyncadd.tile.s32 @!p0 $0x1;
	_ =	shalt  }
.Lfunc_end2:
_tile_overlayer_lowered:
.L_overlay_start_2:
0x2e8: {  	(tag) =	ssettag $0x2  }
0x2e9: {  	s0 =	rddreg [dreg:$0x0];
	s2 =	stileid.u32  }
0x2ea: {  	s1 =	rddreg [dreg:$0x1];
	p0 =	sne.s32 s2, $0x0  }
0x2eb: {  	s3 =	rddreg [dreg:$0x2];
	[bflag:$0x3] =	sbarrier.arrive $0xFFFF;
	s2 =	simm.s32 @!p0 $0x1C07  }
0x2ec: {  	[timem:s3], [sflag:s2] =	dma.local @!p0 [hbm:s0], s1  }
0x2ed: {  	s0 =	simm.s32 @!p0 $0x7  }
0x2ee: {  	_ =	swait.ge @!p0 [sflag:s0], s1  }
0x2ef: {  	s1 =	ssub.s32 @!p0 $0x0, s1;
	[sflag:s0] =	ssyncset.done @!p0 $0x0  }
0x2f0: {  	[sflag:s0] =	ssyncadd.s32 @!p0 s1  }
0x2f1: {  	[bflag:$0x3] =	sbarrier.arrive $0xFFFF  }
0x2f2: {  	_ =	shalt  }

</sc_bundles>
